<compile_context>
chip_gen: v7x
topology: tpu7x:2x2x1
jax: 0.10.2.dev20260603
libtpu: 0.0.44.dev20260713+nightly
codegen_flags: <defaults>
</compile_context>

<pallas_src>
import functools

import jax
import jax.numpy as jnp
from jax import lax
from jax.experimental import pallas as pl
from jax.experimental.pallas import tpu as pltpu
from jax.experimental.pallas import tpu_sc as plsc

L = 16
NROWS = 128
NCOLS = 32768
NW = 32
TC_ROWS = 64
SC_ROWS = NROWS - TC_ROWS
RPW = SC_ROWS // NW
U = 8
GL = U * L
NCHAIN = 4
BIG = 2**30

_GATHER_DNUMS = lax.GatherDimensionNumbers(
    offset_dims=(), collapsed_slice_dims=(0,), start_index_map=(0,))


def _permute(x, perm):
    return lax.gather(x, perm[:, None], _GATHER_DNUMS, (1,),
                      mode=lax.GatherScatterMode.PROMISE_IN_BOUNDS)


def _all_reduce(x, lane, op):
    for s in (1, 2, 4, 8):
        x = op(x, _permute(x, lane ^ s))
    return x


def _finalize_row(m1, i1, m2, i2, lane):
    v1 = _all_reduce(m1, lane, jnp.maximum)
    i1g = _all_reduce(jnp.where(m1 == v1, i1, BIG), lane, jnp.minimum)
    winner = (m1 == v1) & (i1 == i1g)
    c = jnp.where(winner, m2, m1)
    ci = jnp.where(winner, i2, i1)
    v2 = _all_reduce(c, lane, jnp.maximum)
    i2g = _all_reduce(jnp.where(c == v2, ci, BIG), lane, jnp.minimum)
    return v1, i1g, v2, i2g


def _make_sc_kernel():
    mesh = plsc.VectorSubcoreMesh(core_axis_name="c", subcore_axis_name="s")

    @functools.partial(
        pl.kernel,
        out_type=(
            jax.ShapeDtypeStruct((NW * 8,), jnp.float32),
            jax.ShapeDtypeStruct((NW * 8,), jnp.int32),
        ),
        mesh=mesh,
        compiler_params=pltpu.CompilerParams(needs_layout_passes=False),
        scratch_types=[
            pltpu.VMEM((NCOLS,), jnp.float32),
            pltpu.VMEM((NCOLS,), jnp.float32),
            pltpu.VMEM((L,), jnp.float32),
            pltpu.VMEM((L,), jnp.int32),
            pltpu.SemaphoreType.DMA,
            pltpu.SemaphoreType.DMA,
        ],
    )
    def topk2(var_hbm, outv_hbm, outi_hbm, buf0, buf1, resv_ref, resi_ref,
              sem0, sem1):
        wid = lax.axis_index("c") * 16 + lax.axis_index("s")
        base_row = TC_ROWS + wid * RPW
        lane = lax.broadcasted_iota(jnp.int32, (L,), 0)
        neg = jnp.full((L,), -jnp.inf, jnp.float32)
        zero_i = jnp.zeros((L,), jnp.int32)

        bufs = [buf0, buf1]
        sems = [sem0, sem1]
        cps = [None, None]
        cps[0] = pltpu.async_copy(var_hbm.at[base_row], buf0, sem0)

        resv = jnp.zeros((L,), jnp.float32)
        resi = jnp.zeros((L,), jnp.int32)
        for r in range(RPW):
            b = r % 2
            if r + 1 < RPW:
                nb = (r + 1) % 2
                cps[nb] = pltpu.async_copy(
                    var_hbm.at[base_row + r + 1], bufs[nb], sems[nb])
            cps[b].wait()
            buf = bufs[b]

            def update(carry, x, sx):
                m1, i1, m2, i2 = carry
                gt1 = x > m1
                cand = jnp.where(gt1, m1, x)
                candi = jnp.where(gt1, i1, sx)
                m1 = jnp.where(gt1, x, m1)
                i1 = jnp.where(gt1, sx, i1)
                gt2 = (cand > m2) | ((cand == m2) & (candi < i2))
                m2 = jnp.where(gt2, cand, m2)
                i2 = jnp.where(gt2, candi, i2)
                return m1, i1, m2, i2

            def merge_update(carry, x, sx):
                m1, i1, m2, i2 = carry
                gt1 = (x > m1) | ((x == m1) & (sx < i1))
                cand = jnp.where(gt1, m1, x)
                candi = jnp.where(gt1, i1, sx)
                m1 = jnp.where(gt1, x, m1)
                i1 = jnp.where(gt1, sx, i1)
                gt2 = (cand > m2) | ((cand == m2) & (candi < i2))
                m2 = jnp.where(gt2, cand, m2)
                i2 = jnp.where(gt2, candi, i2)
                return m1, i1, m2, i2

            def group_body(g, carry):
                recs = [list(carry[4 * c:4 * c + 4]) for c in range(NCHAIN)]
                base = g * GL
                sb = jnp.full((L,), g * U, jnp.int32)
                for u in range(U):
                    x = buf[pl.ds(base + u * L, L)]
                    c = u % NCHAIN
                    recs[c] = update(recs[c], x, sb + u)
                return tuple(sum([list(rec) for rec in recs], []))

            init = tuple([neg, zero_i, neg, zero_i] * NCHAIN)
            out = plsc.parallel_loop(0, NCOLS // GL, carry=init)(group_body)
            recs = [out[4 * c:4 * c + 4] for c in range(NCHAIN)]
            rec = tuple(recs[0])
            for c in range(1, NCHAIN):
                m1c, i1c, m2c, i2c = recs[c]
                rec = merge_update(rec, m1c, i1c)
                rec = merge_update(rec, m2c, i2c)
            m1, i1, m2, i2 = rec
            i1 = i1 * L + lane
            i2 = i2 * L + lane
            v1, i1g, v2, i2g = _finalize_row(m1, i1, m2, i2, lane)
            resv = jnp.where(lane == 2 * r, v1, resv)
            resv = jnp.where(lane == 2 * r + 1, v2, resv)
            resi = jnp.where(lane == 2 * r, i1g, resi)
            resi = jnp.where(lane == 2 * r + 1, i2g, resi)

        resv_ref[...] = resv
        resi_ref[...] = resi
        pltpu.sync_copy(resv_ref.at[pl.ds(0, 8)],
                        outv_hbm.at[pl.ds(wid * 8, 8)])
        pltpu.sync_copy(resi_ref.at[pl.ds(0, 8)],
                        outi_hbm.at[pl.ds(wid * 8, 8)])

    return topk2


def _tc_topk2_body(x_ref, outv_ref, outi_ref):
    x = x_ref[...]
    iota = lax.broadcasted_iota(jnp.int32, (8, NCOLS), 1)
    m1 = jnp.max(x, axis=1, keepdims=True)
    i1 = jnp.min(jnp.where(x == m1, iota, BIG), axis=1, keepdims=True)
    x2 = jnp.where(iota == i1, -jnp.inf, x)
    m2 = jnp.max(x2, axis=1, keepdims=True)
    i2 = jnp.min(jnp.where(x2 == m2, iota, BIG), axis=1, keepdims=True)
    outv_ref[...] = jnp.concatenate([m1, m2], axis=1)
    outi_ref[...] = jnp.concatenate([i1, i2], axis=1)


def _make_tc_kernel():
    return pl.pallas_call(
        _tc_topk2_body,
        grid=(TC_ROWS // 8,),
        in_specs=[pl.BlockSpec((8, NCOLS), lambda i: (i, 0))],
        out_specs=[pl.BlockSpec((8, 2), lambda i: (i, 0)),
                   pl.BlockSpec((8, 2), lambda i: (i, 0))],
        out_shape=[jax.ShapeDtypeStruct((TC_ROWS, 2), jnp.float32),
                   jax.ShapeDtypeStruct((TC_ROWS, 2), jnp.int32)],
    )


_topk2_sc = _make_sc_kernel()
_topk2_tc = _make_tc_kernel()


@jax.jit
def kernel(var):
    sc_v, sc_i = _topk2_sc(var)
    tc_v, tc_i = _topk2_tc(var)
    sc_v = sc_v.reshape(NW, 8)[:, :2 * RPW].reshape(SC_ROWS, 2)
    sc_i = sc_i.reshape(NW, 8)[:, :2 * RPW].reshape(SC_ROWS, 2)
    v = jnp.concatenate([tc_v, sc_v], axis=0)
    i = jnp.concatenate([tc_i, sc_i], axis=0)
    return v, i

# --- scband reference (transcript-rebuilt; emitter-appended) ---
"""Pipeline reference for scband-model-23141283791466 (READ-ONLY COPY).

The authoritative reference and input builder live on the scoring server;
editing this copy changes nothing except your own understanding.
"""

import jax, jax.numpy as jnp
import numpy as np

def setup_inputs(seed: int = 0) -> dict:
    key = jax.random.key(seed)
    var = jax.random.normal(key, (128, 32768), dtype=jnp.float32)
    return {"var": var}

def reference(var):
    # torch.topk(var, k=2, dim=1) -> values, indices
    # dim=1 is the last axis for a 2D input, so lax.top_k applies directly.
    topk_values, topk_indices = jax.lax.top_k(var, 2)
    return (topk_values, topk_indices)

if __name__ == "__main__":
    import jax
    _d = setup_inputs()
    print(jax.jit(kernel)(*tuple(_d.values())))

</pallas_src>

<mosaic_0001>
#map = affine_map<(d0, d1) -> (0, 0)>
#map1 = affine_map<(d0, d1) -> (0)>
module attributes {stable_mosaic.version = 14 : i64} {
  func.func @topk2(%arg0: i32, %arg1: i32, %arg2: memref<128x32768xf32, #tpu.memory_space<hbm>>, %arg3: memref<256xf32, #tpu.memory_space<hbm>>, %arg4: memref<256xi32, #tpu.memory_space<hbm>>, %arg5: memref<32768xf32, #tpu.memory_space<vmem>>, %arg6: memref<32768xf32, #tpu.memory_space<vmem>>, %arg7: memref<16xf32, #tpu.memory_space<vmem>>, %arg8: memref<16xi32, #tpu.memory_space<vmem>>, %arg9: memref<!tpu.dma_semaphore, #tpu.memory_space<semaphore_mem>>, %arg10: memref<!tpu.dma_semaphore, #tpu.memory_space<semaphore_mem>>) attributes {dimension_semantics = [#tpu.dimension_semantics<core_parallel>, #tpu.dimension_semantics<subcore_parallel>], iteration_bounds = array<i64: 2, 16>, scalar_prefetch = 0 : i64, scratch_operands = 6 : i64, tpu.core_type = #tpu.core_type<sc_vector_subcore>, window_params = [{transform_indices = #map}, {transform_indices = #map1}, {transform_indices = #map1}]} {
    %mul3A = arith.constant 16 : i32
    %mul3A_0 = arith.muli %arg0, %mul3A : i32
    %add3A = arith.addi %mul3A_0, %arg1 : i32
    %mul3A_1 = arith.constant 2 : i32
    %mul3A_2 = arith.muli %add3A, %mul3A_1 : i32
    %add3A_3 = arith.constant 64 : i32
    %add3A_4 = arith.addi %add3A_3, %mul3A_2 : i32
    %iota3A = tpu.iota {dimensions = array<i32: 0>} : vector<16xi32>
    %broadcast_in_dim3A = arith.constant 0xFF800000 : f32
    %broadcast_in_dim3A_5 = vector.broadcast %broadcast_in_dim3A : f32 to vector<16xf32>
    %broadcast_in_dim3A_6 = arith.constant 0 : i32
    %broadcast_in_dim3A_7 = vector.broadcast %broadcast_in_dim3A_6 : i32 to vector<16xi32>
    %dma_start3A = arith.constant 0 : i32
    %dma_start3A_8 = tpu.memref_slice %arg2[%add3A_4, %dma_start3A] : memref<128x32768xf32, #tpu.memory_space<hbm>> -> memref<1x32768xf32, #tpu.memory_space<hbm>>
    %dma_start3A_9 = tpu.memref_squeeze %dma_start3A_8 : memref<1x32768xf32, #tpu.memory_space<hbm>> -> memref<32768xf32, #tpu.memory_space<hbm>>
    %dma_start3A_10 = arith.constant 0 : i32
    %dma_start3A_11 = tpu.memref_slice %arg2[%add3A_4, %dma_start3A_10] : memref<128x32768xf32, #tpu.memory_space<hbm>> -> memref<1x32768xf32, #tpu.memory_space<hbm>>
    %dma_start3A_12 = tpu.memref_squeeze %dma_start3A_11 : memref<1x32768xf32, #tpu.memory_space<hbm>> -> memref<32768xf32, #tpu.memory_space<hbm>>
    tpu.enqueue_dma source(%dma_start3A_12 : memref<32768xf32, #tpu.memory_space<hbm>>) target(%arg5 : memref<32768xf32, #tpu.memory_space<vmem>>) target_semaphore(%arg9 : memref<!tpu.dma_semaphore, #tpu.memory_space<semaphore_mem>>)
    %broadcast_in_dim3A_13 = arith.constant 0.000000e+00 : f32
    %broadcast_in_dim3A_14 = vector.broadcast %broadcast_in_dim3A_13 : f32 to vector<16xf32>
    %broadcast_in_dim3A_15 = arith.constant 0 : i32
    %broadcast_in_dim3A_16 = vector.broadcast %broadcast_in_dim3A_15 : i32 to vector<16xi32>
    %add3A_17 = arith.constant 0 : i32
    %add3A_18 = arith.addi %add3A_4, %add3A_17 : i32
    %add3A_19 = arith.constant 1 : i32
    %add3A_20 = arith.addi %add3A_18, %add3A_19 : i32
    %dma_start3A_21 = arith.constant 0 : i32
    %dma_start3A_22 = tpu.memref_slice %arg2[%add3A_20, %dma_start3A_21] : memref<128x32768xf32, #tpu.memory_space<hbm>> -> memref<1x32768xf32, #tpu.memory_space<hbm>>
    %dma_start3A_23 = tpu.memref_squeeze %dma_start3A_22 : memref<1x32768xf32, #tpu.memory_space<hbm>> -> memref<32768xf32, #tpu.memory_space<hbm>>
    %dma_start3A_24 = arith.constant 0 : i32
    %dma_start3A_25 = tpu.memref_slice %arg2[%add3A_20, %dma_start3A_24] : memref<128x32768xf32, #tpu.memory_space<hbm>> -> memref<1x32768xf32, #tpu.memory_space<hbm>>
    %dma_start3A_26 = tpu.memref_squeeze %dma_start3A_25 : memref<1x32768xf32, #tpu.memory_space<hbm>> -> memref<32768xf32, #tpu.memory_space<hbm>>
    tpu.enqueue_dma source(%dma_start3A_26 : memref<32768xf32, #tpu.memory_space<hbm>>) target(%arg6 : memref<32768xf32, #tpu.memory_space<vmem>>) target_semaphore(%arg10 : memref<!tpu.dma_semaphore, #tpu.memory_space<semaphore_mem>>)
    %dma_wait3A = arith.constant 0 : i32
    %dma_wait3A_27 = tpu.memref_slice %arg2[%add3A_4, %dma_wait3A] : memref<128x32768xf32, #tpu.memory_space<hbm>> -> memref<1x32768xf32, #tpu.memory_space<hbm>>
    %dma_wait3A_28 = tpu.memref_squeeze %dma_wait3A_27 : memref<1x32768xf32, #tpu.memory_space<hbm>> -> memref<32768xf32, #tpu.memory_space<hbm>>
    %dma_wait3A_29 = arith.constant 0 : i32
    %dma_wait3A_30 = tpu.memref_slice %arg2[%add3A_4, %dma_wait3A_29] : memref<128x32768xf32, #tpu.memory_space<hbm>> -> memref<1x32768xf32, #tpu.memory_space<hbm>>
    %dma_wait3A_31 = tpu.memref_squeeze %dma_wait3A_30 : memref<1x32768xf32, #tpu.memory_space<hbm>> -> memref<32768xf32, #tpu.memory_space<hbm>>
    tpu.wait_dma2 semaphore(%arg9 : memref<!tpu.dma_semaphore, #tpu.memory_space<semaphore_mem>>) src(%dma_wait3A_31 : memref<32768xf32, #tpu.memory_space<hbm>>) dst(%arg5 : memref<32768xf32, #tpu.memory_space<vmem>>)
    %parallel_loop3A = arith.constant 0 : i32
    %parallel_loop3A_32 = arith.constant 256 : i32
    %parallel_loop3A_33 = arith.constant 1 : i32
    %parallel_loop3A_34:16 = scf.for %parallel_loop3A_531 = %parallel_loop3A to %parallel_loop3A_32 step %parallel_loop3A_33 iter_args(%parallel_loop3A_532 = %broadcast_in_dim3A_5, %parallel_loop3A_533 = %broadcast_in_dim3A_7, %parallel_loop3A_534 = %broadcast_in_dim3A_5, %parallel_loop3A_535 = %broadcast_in_dim3A_7, %parallel_loop3A_536 = %broadcast_in_dim3A_5, %parallel_loop3A_537 = %broadcast_in_dim3A_7, %parallel_loop3A_538 = %broadcast_in_dim3A_5, %parallel_loop3A_539 = %broadcast_in_dim3A_7, %parallel_loop3A_540 = %broadcast_in_dim3A_5, %parallel_loop3A_541 = %broadcast_in_dim3A_7, %parallel_loop3A_542 = %broadcast_in_dim3A_5, %parallel_loop3A_543 = %broadcast_in_dim3A_7, %parallel_loop3A_544 = %broadcast_in_dim3A_5, %parallel_loop3A_545 = %broadcast_in_dim3A_7, %parallel_loop3A_546 = %broadcast_in_dim3A_5, %parallel_loop3A_547 = %broadcast_in_dim3A_7) -> (vector<16xf32>, vector<16xi32>, vector<16xf32>, vector<16xi32>, vector<16xf32>, vector<16xi32>, vector<16xf32>, vector<16xi32>, vector<16xf32>, vector<16xi32>, vector<16xf32>, vector<16xi32>, vector<16xf32>, vector<16xi32>, vector<16xf32>, vector<16xi32>)  : i32 {
      %parallel_loop3A_548 = arith.constant 128 : i32
      %parallel_loop3A_549 = arith.muli %parallel_loop3A_531, %parallel_loop3A_548 : i32
      %parallel_loop3A_550 = arith.constant 8 : i32
      %parallel_loop3A_551 = arith.muli %parallel_loop3A_531, %parallel_loop3A_550 : i32
      %parallel_loop3A_552 = vector.broadcast %parallel_loop3A_551 : i32 to vector<16xi32>
      %parallel_loop3A_553 = arith.constant 0 : i32
      %parallel_loop3A_554 = arith.addi %parallel_loop3A_549, %parallel_loop3A_553 : i32
      %parallel_loop3A_555 = arith.index_cast %parallel_loop3A_554 : i32 to index
      %parallel_loop3A_556 = tpu.vector_load %arg5[%parallel_loop3A_555] {strides = array<i32>} : memref<32768xf32, #tpu.memory_space<vmem>>, vector<16xf32>,
      %parallel_loop3A_557 = arith.constant 0 : i32
      %parallel_loop3A_558 = vector.broadcast %parallel_loop3A_557 : i32 to vector<16xi32>
      %parallel_loop3A_559 = arith.addi %parallel_loop3A_552, %parallel_loop3A_558 : vector<16xi32>
      %parallel_loop3A_560 = arith.cmpf ogt, %parallel_loop3A_556, %parallel_loop3A_532 : vector<16xf32>
      %parallel_loop3A_561 = arith.select %parallel_loop3A_560, %parallel_loop3A_532, %parallel_loop3A_556 : vector<16xi1>, vector<16xf32>
      %parallel_loop3A_562 = arith.select %parallel_loop3A_560, %parallel_loop3A_533, %parallel_loop3A_559 : vector<16xi1>, vector<16xi32>
      %parallel_loop3A_563 = arith.select %parallel_loop3A_560, %parallel_loop3A_556, %parallel_loop3A_532 : vector<16xi1>, vector<16xf32>
      %parallel_loop3A_564 = arith.select %parallel_loop3A_560, %parallel_loop3A_559, %parallel_loop3A_533 : vector<16xi1>, vector<16xi32>
      %parallel_loop3A_565 = arith.cmpf ogt, %parallel_loop3A_561, %parallel_loop3A_534 : vector<16xf32>
      %parallel_loop3A_566 = arith.cmpf oeq, %parallel_loop3A_561, %parallel_loop3A_534 : vector<16xf32>
      %parallel_loop3A_567 = arith.cmpi slt, %parallel_loop3A_562, %parallel_loop3A_535 : vector<16xi32>
      %parallel_loop3A_568 = arith.andi %parallel_loop3A_566, %parallel_loop3A_567 : vector<16xi1>
      %parallel_loop3A_569 = arith.ori %parallel_loop3A_565, %parallel_loop3A_568 : vector<16xi1>
      %parallel_loop3A_570 = arith.select %parallel_loop3A_569, %parallel_loop3A_561, %parallel_loop3A_534 : vector<16xi1>, vector<16xf32>
      %parallel_loop3A_571 = arith.select %parallel_loop3A_569, %parallel_loop3A_562, %parallel_loop3A_535 : vector<16xi1>, vector<16xi32>
      %parallel_loop3A_572 = arith.constant 16 : i32
      %parallel_loop3A_573 = arith.addi %parallel_loop3A_549, %parallel_loop3A_572 : i32
      %parallel_loop3A_574 = arith.index_cast %parallel_loop3A_573 : i32 to index
      %parallel_loop3A_575 = tpu.vector_load %arg5[%parallel_loop3A_574] {strides = array<i32>} : memref<32768xf32, #tpu.memory_space<vmem>>, vector<16xf32>,
      %parallel_loop3A_576 = arith.constant 1 : i32
      %parallel_loop3A_577 = vector.broadcast %parallel_loop3A_576 : i32 to vector<16xi32>
      %parallel_loop3A_578 = arith.addi %parallel_loop3A_552, %parallel_loop3A_577 : vector<16xi32>
      %parallel_loop3A_579 = arith.cmpf ogt, %parallel_loop3A_575, %parallel_loop3A_536 : vector<16xf32>
      %parallel_loop3A_580 = arith.select %parallel_loop3A_579, %parallel_loop3A_536, %parallel_loop3A_575 : vector<16xi1>, vector<16xf32>
      %parallel_loop3A_581 = arith.select %parallel_loop3A_579, %parallel_loop3A_537, %parallel_loop3A_578 : vector<16xi1>, vector<16xi32>
      %parallel_loop3A_582 = arith.select %parallel_loop3A_579, %parallel_loop3A_575, %parallel_loop3A_536 : vector<16xi1>, vector<16xf32>
      %parallel_loop3A_583 = arith.select %parallel_loop3A_579, %parallel_loop3A_578, %parallel_loop3A_537 : vector<16xi1>, vector<16xi32>
      %parallel_loop3A_584 = arith.cmpf ogt, %parallel_loop3A_580, %parallel_loop3A_538 : vector<16xf32>
      %parallel_loop3A_585 = arith.cmpf oeq, %parallel_loop3A_580, %parallel_loop3A_538 : vector<16xf32>
      %parallel_loop3A_586 = arith.cmpi slt, %parallel_loop3A_581, %parallel_loop3A_539 : vector<16xi32>
      %parallel_loop3A_587 = arith.andi %parallel_loop3A_585, %parallel_loop3A_586 : vector<16xi1>
      %parallel_loop3A_588 = arith.ori %parallel_loop3A_584, %parallel_loop3A_587 : vector<16xi1>
      %parallel_loop3A_589 = arith.select %parallel_loop3A_588, %parallel_loop3A_580, %parallel_loop3A_538 : vector<16xi1>, vector<16xf32>
      %parallel_loop3A_590 = arith.select %parallel_loop3A_588, %parallel_loop3A_581, %parallel_loop3A_539 : vector<16xi1>, vector<16xi32>
      %parallel_loop3A_591 = arith.constant 32 : i32
      %parallel_loop3A_592 = arith.addi %parallel_loop3A_549, %parallel_loop3A_591 : i32
      %parallel_loop3A_593 = arith.index_cast %parallel_loop3A_592 : i32 to index
      %parallel_loop3A_594 = tpu.vector_load %arg5[%parallel_loop3A_593] {strides = array<i32>} : memref<32768xf32, #tpu.memory_space<vmem>>, vector<16xf32>,
      %parallel_loop3A_595 = arith.constant 2 : i32
      %parallel_loop3A_596 = vector.broadcast %parallel_loop3A_595 : i32 to vector<16xi32>
      %parallel_loop3A_597 = arith.addi %parallel_loop3A_552, %parallel_loop3A_596 : vector<16xi32>
      %parallel_loop3A_598 = arith.cmpf ogt, %parallel_loop3A_594, %parallel_loop3A_540 : vector<16xf32>
      %parallel_loop3A_599 = arith.select %parallel_loop3A_598, %parallel_loop3A_540, %parallel_loop3A_594 : vector<16xi1>, vector<16xf32>
      %parallel_loop3A_600 = arith.select %parallel_loop3A_598, %parallel_loop3A_541, %parallel_loop3A_597 : vector<16xi1>, vector<16xi32>
      %parallel_loop3A_601 = arith.select %parallel_loop3A_598, %parallel_loop3A_594, %parallel_loop3A_540 : vector<16xi1>, vector<16xf32>
      %parallel_loop3A_602 = arith.select %parallel_loop3A_598, %parallel_loop3A_597, %parallel_loop3A_541 : vector<16xi1>, vector<16xi32>
      %parallel_loop3A_603 = arith.cmpf ogt, %parallel_loop3A_599, %parallel_loop3A_542 : vector<16xf32>
      %parallel_loop3A_604 = arith.cmpf oeq, %parallel_loop3A_599, %parallel_loop3A_542 : vector<16xf32>
      %parallel_loop3A_605 = arith.cmpi slt, %parallel_loop3A_600, %parallel_loop3A_543 : vector<16xi32>
      %parallel_loop3A_606 = arith.andi %parallel_loop3A_604, %parallel_loop3A_605 : vector<16xi1>
      %parallel_loop3A_607 = arith.ori %parallel_loop3A_603, %parallel_loop3A_606 : vector<16xi1>
      %parallel_loop3A_608 = arith.select %parallel_loop3A_607, %parallel_loop3A_599, %parallel_loop3A_542 : vector<16xi1>, vector<16xf32>
      %parallel_loop3A_609 = arith.select %parallel_loop3A_607, %parallel_loop3A_600, %parallel_loop3A_543 : vector<16xi1>, vector<16xi32>
      %parallel_loop3A_610 = arith.constant 48 : i32
      %parallel_loop3A_611 = arith.addi %parallel_loop3A_549, %parallel_loop3A_610 : i32
      %parallel_loop3A_612 = arith.index_cast %parallel_loop3A_611 : i32 to index
      %parallel_loop3A_613 = tpu.vector_load %arg5[%parallel_loop3A_612] {strides = array<i32>} : memref<32768xf32, #tpu.memory_space<vmem>>, vector<16xf32>,
      %parallel_loop3A_614 = arith.constant 3 : i32
      %parallel_loop3A_615 = vector.broadcast %parallel_loop3A_614 : i32 to vector<16xi32>
      %parallel_loop3A_616 = arith.addi %parallel_loop3A_552, %parallel_loop3A_615 : vector<16xi32>
      %parallel_loop3A_617 = arith.cmpf ogt, %parallel_loop3A_613, %parallel_loop3A_544 : vector<16xf32>
      %parallel_loop3A_618 = arith.select %parallel_loop3A_617, %parallel_loop3A_544, %parallel_loop3A_613 : vector<16xi1>, vector<16xf32>
      %parallel_loop3A_619 = arith.select %parallel_loop3A_617, %parallel_loop3A_545, %parallel_loop3A_616 : vector<16xi1>, vector<16xi32>
      %parallel_loop3A_620 = arith.select %parallel_loop3A_617, %parallel_loop3A_613, %parallel_loop3A_544 : vector<16xi1>, vector<16xf32>
      %parallel_loop3A_621 = arith.select %parallel_loop3A_617, %parallel_loop3A_616, %parallel_loop3A_545 : vector<16xi1>, vector<16xi32>
      %parallel_loop3A_622 = arith.cmpf ogt, %parallel_loop3A_618, %parallel_loop3A_546 : vector<16xf32>
      %parallel_loop3A_623 = arith.cmpf oeq, %parallel_loop3A_618, %parallel_loop3A_546 : vector<16xf32>
      %parallel_loop3A_624 = arith.cmpi slt, %parallel_loop3A_619, %parallel_loop3A_547 : vector<16xi32>
      %parallel_loop3A_625 = arith.andi %parallel_loop3A_623, %parallel_loop3A_624 : vector<16xi1>
      %parallel_loop3A_626 = arith.ori %parallel_loop3A_622, %parallel_loop3A_625 : vector<16xi1>
      %parallel_loop3A_627 = arith.select %parallel_loop3A_626, %parallel_loop3A_618, %parallel_loop3A_546 : vector<16xi1>, vector<16xf32>
      %parallel_loop3A_628 = arith.select %parallel_loop3A_626, %parallel_loop3A_619, %parallel_loop3A_547 : vector<16xi1>, vector<16xi32>
      %parallel_loop3A_629 = arith.constant 64 : i32
      %parallel_loop3A_630 = arith.addi %parallel_loop3A_549, %parallel_loop3A_629 : i32
      %parallel_loop3A_631 = arith.index_cast %parallel_loop3A_630 : i32 to index
      %parallel_loop3A_632 = tpu.vector_load %arg5[%parallel_loop3A_631] {strides = array<i32>} : memref<32768xf32, #tpu.memory_space<vmem>>, vector<16xf32>,
      %parallel_loop3A_633 = arith.constant 4 : i32
      %parallel_loop3A_634 = vector.broadcast %parallel_loop3A_633 : i32 to vector<16xi32>
      %parallel_loop3A_635 = arith.addi %parallel_loop3A_552, %parallel_loop3A_634 : vector<16xi32>
      %parallel_loop3A_636 = arith.cmpf ogt, %parallel_loop3A_632, %parallel_loop3A_563 : vector<16xf32>
      %parallel_loop3A_637 = arith.select %parallel_loop3A_636, %parallel_loop3A_563, %parallel_loop3A_632 : vector<16xi1>, vector<16xf32>
      %parallel_loop3A_638 = arith.select %parallel_loop3A_636, %parallel_loop3A_564, %parallel_loop3A_635 : vector<16xi1>, vector<16xi32>
      %parallel_loop3A_639 = arith.select %parallel_loop3A_636, %parallel_loop3A_632, %parallel_loop3A_563 : vector<16xi1>, vector<16xf32>
      %parallel_loop3A_640 = arith.select %parallel_loop3A_636, %parallel_loop3A_635, %parallel_loop3A_564 : vector<16xi1>, vector<16xi32>
      %parallel_loop3A_641 = arith.cmpf ogt, %parallel_loop3A_637, %parallel_loop3A_570 : vector<16xf32>
      %parallel_loop3A_642 = arith.cmpf oeq, %parallel_loop3A_637, %parallel_loop3A_570 : vector<16xf32>
      %parallel_loop3A_643 = arith.cmpi slt, %parallel_loop3A_638, %parallel_loop3A_571 : vector<16xi32>
      %parallel_loop3A_644 = arith.andi %parallel_loop3A_642, %parallel_loop3A_643 : vector<16xi1>
      %parallel_loop3A_645 = arith.ori %parallel_loop3A_641, %parallel_loop3A_644 : vector<16xi1>
      %parallel_loop3A_646 = arith.select %parallel_loop3A_645, %parallel_loop3A_637, %parallel_loop3A_570 : vector<16xi1>, vector<16xf32>
      %parallel_loop3A_647 = arith.select %parallel_loop3A_645, %parallel_loop3A_638, %parallel_loop3A_571 : vector<16xi1>, vector<16xi32>
      %parallel_loop3A_648 = arith.constant 80 : i32
      %parallel_loop3A_649 = arith.addi %parallel_loop3A_549, %parallel_loop3A_648 : i32
      %parallel_loop3A_650 = arith.index_cast %parallel_loop3A_649 : i32 to index
      %parallel_loop3A_651 = tpu.vector_load %arg5[%parallel_loop3A_650] {strides = array<i32>} : memref<32768xf32, #tpu.memory_space<vmem>>, vector<16xf32>,
      %parallel_loop3A_652 = arith.constant 5 : i32
      %parallel_loop3A_653 = vector.broadcast %parallel_loop3A_652 : i32 to vector<16xi32>
      %parallel_loop3A_654 = arith.addi %parallel_loop3A_552, %parallel_loop3A_653 : vector<16xi32>
      %parallel_loop3A_655 = arith.cmpf ogt, %parallel_loop3A_651, %parallel_loop3A_582 : vector<16xf32>
      %parallel_loop3A_656 = arith.select %parallel_loop3A_655, %parallel_loop3A_582, %parallel_loop3A_651 : vector<16xi1>, vector<16xf32>
      %parallel_loop3A_657 = arith.select %parallel_loop3A_655, %parallel_loop3A_583, %parallel_loop3A_654 : vector<16xi1>, vector<16xi32>
      %parallel_loop3A_658 = arith.select %parallel_loop3A_655, %parallel_loop3A_651, %parallel_loop3A_582 : vector<16xi1>, vector<16xf32>
      %parallel_loop3A_659 = arith.select %parallel_loop3A_655, %parallel_loop3A_654, %parallel_loop3A_583 : vector<16xi1>, vector<16xi32>
      %parallel_loop3A_660 = arith.cmpf ogt, %parallel_loop3A_656, %parallel_loop3A_589 : vector<16xf32>
      %parallel_loop3A_661 = arith.cmpf oeq, %parallel_loop3A_656, %parallel_loop3A_589 : vector<16xf32>
      %parallel_loop3A_662 = arith.cmpi slt, %parallel_loop3A_657, %parallel_loop3A_590 : vector<16xi32>
      %parallel_loop3A_663 = arith.andi %parallel_loop3A_661, %parallel_loop3A_662 : vector<16xi1>
      %parallel_loop3A_664 = arith.ori %parallel_loop3A_660, %parallel_loop3A_663 : vector<16xi1>
      %parallel_loop3A_665 = arith.select %parallel_loop3A_664, %parallel_loop3A_656, %parallel_loop3A_589 : vector<16xi1>, vector<16xf32>
      %parallel_loop3A_666 = arith.select %parallel_loop3A_664, %parallel_loop3A_657, %parallel_loop3A_590 : vector<16xi1>, vector<16xi32>
      %parallel_loop3A_667 = arith.constant 96 : i32
      %parallel_loop3A_668 = arith.addi %parallel_loop3A_549, %parallel_loop3A_667 : i32
      %parallel_loop3A_669 = arith.index_cast %parallel_loop3A_668 : i32 to index
      %parallel_loop3A_670 = tpu.vector_load %arg5[%parallel_loop3A_669] {strides = array<i32>} : memref<32768xf32, #tpu.memory_space<vmem>>, vector<16xf32>,
      %parallel_loop3A_671 = arith.constant 6 : i32
      %parallel_loop3A_672 = vector.broadcast %parallel_loop3A_671 : i32 to vector<16xi32>
      %parallel_loop3A_673 = arith.addi %parallel_loop3A_552, %parallel_loop3A_672 : vector<16xi32>
      %parallel_loop3A_674 = arith.cmpf ogt, %parallel_loop3A_670, %parallel_loop3A_601 : vector<16xf32>
      %parallel_loop3A_675 = arith.select %parallel_loop3A_674, %parallel_loop3A_601, %parallel_loop3A_670 : vector<16xi1>, vector<16xf32>
      %parallel_loop3A_676 = arith.select %parallel_loop3A_674, %parallel_loop3A_602, %parallel_loop3A_673 : vector<16xi1>, vector<16xi32>
      %parallel_loop3A_677 = arith.select %parallel_loop3A_674, %parallel_loop3A_670, %parallel_loop3A_601 : vector<16xi1>, vector<16xf32>
      %parallel_loop3A_678 = arith.select %parallel_loop3A_674, %parallel_loop3A_673, %parallel_loop3A_602 : vector<16xi1>, vector<16xi32>
      %parallel_loop3A_679 = arith.cmpf ogt, %parallel_loop3A_675, %parallel_loop3A_608 : vector<16xf32>
      %parallel_loop3A_680 = arith.cmpf oeq, %parallel_loop3A_675, %parallel_loop3A_608 : vector<16xf32>
      %parallel_loop3A_681 = arith.cmpi slt, %parallel_loop3A_676, %parallel_loop3A_609 : vector<16xi32>
      %parallel_loop3A_682 = arith.andi %parallel_loop3A_680, %parallel_loop3A_681 : vector<16xi1>
      %parallel_loop3A_683 = arith.ori %parallel_loop3A_679, %parallel_loop3A_682 : vector<16xi1>
      %parallel_loop3A_684 = arith.select %parallel_loop3A_683, %parallel_loop3A_675, %parallel_loop3A_608 : vector<16xi1>, vector<16xf32>
      %parallel_loop3A_685 = arith.select %parallel_loop3A_683, %parallel_loop3A_676, %parallel_loop3A_609 : vector<16xi1>, vector<16xi32>
      %parallel_loop3A_686 = arith.constant 112 : i32
      %parallel_loop3A_687 = arith.addi %parallel_loop3A_549, %parallel_loop3A_686 : i32
      %parallel_loop3A_688 = arith.index_cast %parallel_loop3A_687 : i32 to index
      %parallel_loop3A_689 = tpu.vector_load %arg5[%parallel_loop3A_688] {strides = array<i32>} : memref<32768xf32, #tpu.memory_space<vmem>>, vector<16xf32>,
      %parallel_loop3A_690 = arith.constant 7 : i32
      %parallel_loop3A_691 = vector.broadcast %parallel_loop3A_690 : i32 to vector<16xi32>
      %parallel_loop3A_692 = arith.addi %parallel_loop3A_552, %parallel_loop3A_691 : vector<16xi32>
      %parallel_loop3A_693 = arith.cmpf ogt, %parallel_loop3A_689, %parallel_loop3A_620 : vector<16xf32>
      %parallel_loop3A_694 = arith.select %parallel_loop3A_693, %parallel_loop3A_620, %parallel_loop3A_689 : vector<16xi1>, vector<16xf32>
      %parallel_loop3A_695 = arith.select %parallel_loop3A_693, %parallel_loop3A_621, %parallel_loop3A_692 : vector<16xi1>, vector<16xi32>
      %parallel_loop3A_696 = arith.select %parallel_loop3A_693, %parallel_loop3A_689, %parallel_loop3A_620 : vector<16xi1>, vector<16xf32>
      %parallel_loop3A_697 = arith.select %parallel_loop3A_693, %parallel_loop3A_692, %parallel_loop3A_621 : vector<16xi1>, vector<16xi32>
      %parallel_loop3A_698 = arith.cmpf ogt, %parallel_loop3A_694, %parallel_loop3A_627 : vector<16xf32>
      %parallel_loop3A_699 = arith.cmpf oeq, %parallel_loop3A_694, %parallel_loop3A_627 : vector<16xf32>
      %parallel_loop3A_700 = arith.cmpi slt, %parallel_loop3A_695, %parallel_loop3A_628 : vector<16xi32>
      %parallel_loop3A_701 = arith.andi %parallel_loop3A_699, %parallel_loop3A_700 : vector<16xi1>
      %parallel_loop3A_702 = arith.ori %parallel_loop3A_698, %parallel_loop3A_701 : vector<16xi1>
      %parallel_loop3A_703 = arith.select %parallel_loop3A_702, %parallel_loop3A_694, %parallel_loop3A_627 : vector<16xi1>, vector<16xf32>
      %parallel_loop3A_704 = arith.select %parallel_loop3A_702, %parallel_loop3A_695, %parallel_loop3A_628 : vector<16xi1>, vector<16xi32>
      scf.yield %parallel_loop3A_639, %parallel_loop3A_640, %parallel_loop3A_646, %parallel_loop3A_647, %parallel_loop3A_658, %parallel_loop3A_659, %parallel_loop3A_665, %parallel_loop3A_666, %parallel_loop3A_677, %parallel_loop3A_678, %parallel_loop3A_684, %parallel_loop3A_685, %parallel_loop3A_696, %parallel_loop3A_697, %parallel_loop3A_703, %parallel_loop3A_704 : vector<16xf32>, vector<16xi32>, vector<16xf32>, vector<16xi32>, vector<16xf32>, vector<16xi32>, vector<16xf32>, vector<16xi32>, vector<16xf32>, vector<16xi32>, vector<16xf32>, vector<16xi32>, vector<16xf32>, vector<16xi32>, vector<16xf32>, vector<16xi32>
    } {sc.loop_unroll_factor = 1 : i64, sc.parallel_access}
    %gt3A = arith.cmpf ogt, %parallel_loop3A_34#4, %parallel_loop3A_34#0 : vector<16xf32>
    %eq3A = arith.cmpf oeq, %parallel_loop3A_34#4, %parallel_loop3A_34#0 : vector<16xf32>
    %lt3A = arith.cmpi slt, %parallel_loop3A_34#5, %parallel_loop3A_34#1 : vector<16xi32>
    %and3A = arith.andi %eq3A, %lt3A : vector<16xi1>
    %or3A = arith.ori %gt3A, %and3A : vector<16xi1>
    %select_n3A = arith.select %or3A, %parallel_loop3A_34#0, %parallel_loop3A_34#4 : vector<16xi1>, vector<16xf32>
    %select_n3A_35 = arith.select %or3A, %parallel_loop3A_34#1, %parallel_loop3A_34#5 : vector<16xi1>, vector<16xi32>
    %select_n3A_36 = arith.select %or3A, %parallel_loop3A_34#4, %parallel_loop3A_34#0 : vector<16xi1>, vector<16xf32>
    %select_n3A_37 = arith.select %or3A, %parallel_loop3A_34#5, %parallel_loop3A_34#1 : vector<16xi1>, vector<16xi32>
    %gt3A_38 = arith.cmpf ogt, %select_n3A, %parallel_loop3A_34#2 : vector<16xf32>
    %eq3A_39 = arith.cmpf oeq, %select_n3A, %parallel_loop3A_34#2 : vector<16xf32>
    %lt3A_40 = arith.cmpi slt, %select_n3A_35, %parallel_loop3A_34#3 : vector<16xi32>
    %and3A_41 = arith.andi %eq3A_39, %lt3A_40 : vector<16xi1>
    %or3A_42 = arith.ori %gt3A_38, %and3A_41 : vector<16xi1>
    %select_n3A_43 = arith.select %or3A_42, %select_n3A, %parallel_loop3A_34#2 : vector<16xi1>, vector<16xf32>
    %select_n3A_44 = arith.select %or3A_42, %select_n3A_35, %parallel_loop3A_34#3 : vector<16xi1>, vector<16xi32>
    %gt3A_45 = arith.cmpf ogt, %parallel_loop3A_34#6, %select_n3A_36 : vector<16xf32>
    %eq3A_46 = arith.cmpf oeq, %parallel_loop3A_34#6, %select_n3A_36 : vector<16xf32>
    %lt3A_47 = arith.cmpi slt, %parallel_loop3A_34#7, %select_n3A_37 : vector<16xi32>
    %and3A_48 = arith.andi %eq3A_46, %lt3A_47 : vector<16xi1>
    %or3A_49 = arith.ori %gt3A_45, %and3A_48 : vector<16xi1>
    %select_n3A_50 = arith.select %or3A_49, %select_n3A_36, %parallel_loop3A_34#6 : vector<16xi1>, vector<16xf32>
    %select_n3A_51 = arith.select %or3A_49, %select_n3A_37, %parallel_loop3A_34#7 : vector<16xi1>, vector<16xi32>
    %select_n3A_52 = arith.select %or3A_49, %parallel_loop3A_34#6, %select_n3A_36 : vector<16xi1>, vector<16xf32>
    %select_n3A_53 = arith.select %or3A_49, %parallel_loop3A_34#7, %select_n3A_37 : vector<16xi1>, vector<16xi32>
    %gt3A_54 = arith.cmpf ogt, %select_n3A_50, %select_n3A_43 : vector<16xf32>
    %eq3A_55 = arith.cmpf oeq, %select_n3A_50, %select_n3A_43 : vector<16xf32>
    %lt3A_56 = arith.cmpi slt, %select_n3A_51, %select_n3A_44 : vector<16xi32>
    %and3A_57 = arith.andi %eq3A_55, %lt3A_56 : vector<16xi1>
    %or3A_58 = arith.ori %gt3A_54, %and3A_57 : vector<16xi1>
    %select_n3A_59 = arith.select %or3A_58, %select_n3A_50, %select_n3A_43 : vector<16xi1>, vector<16xf32>
    %select_n3A_60 = arith.select %or3A_58, %select_n3A_51, %select_n3A_44 : vector<16xi1>, vector<16xi32>
    %gt3A_61 = arith.cmpf ogt, %parallel_loop3A_34#8, %select_n3A_52 : vector<16xf32>
    %eq3A_62 = arith.cmpf oeq, %parallel_loop3A_34#8, %select_n3A_52 : vector<16xf32>
    %lt3A_63 = arith.cmpi slt, %parallel_loop3A_34#9, %select_n3A_53 : vector<16xi32>
    %and3A_64 = arith.andi %eq3A_62, %lt3A_63 : vector<16xi1>
    %or3A_65 = arith.ori %gt3A_61, %and3A_64 : vector<16xi1>
    %select_n3A_66 = arith.select %or3A_65, %select_n3A_52, %parallel_loop3A_34#8 : vector<16xi1>, vector<16xf32>
    %select_n3A_67 = arith.select %or3A_65, %select_n3A_53, %parallel_loop3A_34#9 : vector<16xi1>, vector<16xi32>
    %select_n3A_68 = arith.select %or3A_65, %parallel_loop3A_34#8, %select_n3A_52 : vector<16xi1>, vector<16xf32>
    %select_n3A_69 = arith.select %or3A_65, %parallel_loop3A_34#9, %select_n3A_53 : vector<16xi1>, vector<16xi32>
    %gt3A_70 = arith.cmpf ogt, %select_n3A_66, %select_n3A_59 : vector<16xf32>
    %eq3A_71 = arith.cmpf oeq, %select_n3A_66, %select_n3A_59 : vector<16xf32>
    %lt3A_72 = arith.cmpi slt, %select_n3A_67, %select_n3A_60 : vector<16xi32>
    %and3A_73 = arith.andi %eq3A_71, %lt3A_72 : vector<16xi1>
    %or3A_74 = arith.ori %gt3A_70, %and3A_73 : vector<16xi1>
    %select_n3A_75 = arith.select %or3A_74, %select_n3A_66, %select_n3A_59 : vector<16xi1>, vector<16xf32>
    %select_n3A_76 = arith.select %or3A_74, %select_n3A_67, %select_n3A_60 : vector<16xi1>, vector<16xi32>
    %gt3A_77 = arith.cmpf ogt, %parallel_loop3A_34#10, %select_n3A_68 : vector<16xf32>
    %eq3A_78 = arith.cmpf oeq, %parallel_loop3A_34#10, %select_n3A_68 : vector<16xf32>
    %lt3A_79 = arith.cmpi slt, %parallel_loop3A_34#11, %select_n3A_69 : vector<16xi32>
    %and3A_80 = arith.andi %eq3A_78, %lt3A_79 : vector<16xi1>
    %or3A_81 = arith.ori %gt3A_77, %and3A_80 : vector<16xi1>
    %select_n3A_82 = arith.select %or3A_81, %select_n3A_68, %parallel_loop3A_34#10 : vector<16xi1>, vector<16xf32>
    %select_n3A_83 = arith.select %or3A_81, %select_n3A_69, %parallel_loop3A_34#11 : vector<16xi1>, vector<16xi32>
    %select_n3A_84 = arith.select %or3A_81, %parallel_loop3A_34#10, %select_n3A_68 : vector<16xi1>, vector<16xf32>
    %select_n3A_85 = arith.select %or3A_81, %parallel_loop3A_34#11, %select_n3A_69 : vector<16xi1>, vector<16xi32>
    %gt3A_86 = arith.cmpf ogt, %select_n3A_82, %select_n3A_75 : vector<16xf32>
    %eq3A_87 = arith.cmpf oeq, %select_n3A_82, %select_n3A_75 : vector<16xf32>
    %lt3A_88 = arith.cmpi slt, %select_n3A_83, %select_n3A_76 : vector<16xi32>
    %and3A_89 = arith.andi %eq3A_87, %lt3A_88 : vector<16xi1>
    %or3A_90 = arith.ori %gt3A_86, %and3A_89 : vector<16xi1>
    %select_n3A_91 = arith.select %or3A_90, %select_n3A_82, %select_n3A_75 : vector<16xi1>, vector<16xf32>
    %select_n3A_92 = arith.select %or3A_90, %select_n3A_83, %select_n3A_76 : vector<16xi1>, vector<16xi32>
    %gt3A_93 = arith.cmpf ogt, %parallel_loop3A_34#12, %select_n3A_84 : vector<16xf32>
    %eq3A_94 = arith.cmpf oeq, %parallel_loop3A_34#12, %select_n3A_84 : vector<16xf32>
    %lt3A_95 = arith.cmpi slt, %parallel_loop3A_34#13, %select_n3A_85 : vector<16xi32>
    %and3A_96 = arith.andi %eq3A_94, %lt3A_95 : vector<16xi1>
    %or3A_97 = arith.ori %gt3A_93, %and3A_96 : vector<16xi1>
    %select_n3A_98 = arith.select %or3A_97, %select_n3A_84, %parallel_loop3A_34#12 : vector<16xi1>, vector<16xf32>
    %select_n3A_99 = arith.select %or3A_97, %select_n3A_85, %parallel_loop3A_34#13 : vector<16xi1>, vector<16xi32>
    %select_n3A_100 = arith.select %or3A_97, %parallel_loop3A_34#12, %select_n3A_84 : vector<16xi1>, vector<16xf32>
    %select_n3A_101 = arith.select %or3A_97, %parallel_loop3A_34#13, %select_n3A_85 : vector<16xi1>, vector<16xi32>
    %gt3A_102 = arith.cmpf ogt, %select_n3A_98, %select_n3A_91 : vector<16xf32>
    %eq3A_103 = arith.cmpf oeq, %select_n3A_98, %select_n3A_91 : vector<16xf32>
    %lt3A_104 = arith.cmpi slt, %select_n3A_99, %select_n3A_92 : vector<16xi32>
    %and3A_105 = arith.andi %eq3A_103, %lt3A_104 : vector<16xi1>
    %or3A_106 = arith.ori %gt3A_102, %and3A_105 : vector<16xi1>
    %select_n3A_107 = arith.select %or3A_106, %select_n3A_98, %select_n3A_91 : vector<16xi1>, vector<16xf32>
    %select_n3A_108 = arith.select %or3A_106, %select_n3A_99, %select_n3A_92 : vector<16xi1>, vector<16xi32>
    %gt3A_109 = arith.cmpf ogt, %parallel_loop3A_34#14, %select_n3A_100 : vector<16xf32>
    %eq3A_110 = arith.cmpf oeq, %parallel_loop3A_34#14, %select_n3A_100 : vector<16xf32>
    %lt3A_111 = arith.cmpi slt, %parallel_loop3A_34#15, %select_n3A_101 : vector<16xi32>
    %and3A_112 = arith.andi %eq3A_110, %lt3A_111 : vector<16xi1>
    %or3A_113 = arith.ori %gt3A_109, %and3A_112 : vector<16xi1>
    %select_n3A_114 = arith.select %or3A_113, %select_n3A_100, %parallel_loop3A_34#14 : vector<16xi1>, vector<16xf32>
    %select_n3A_115 = arith.select %or3A_113, %select_n3A_101, %parallel_loop3A_34#15 : vector<16xi1>, vector<16xi32>
    %select_n3A_116 = arith.select %or3A_113, %parallel_loop3A_34#14, %select_n3A_100 : vector<16xi1>, vector<16xf32>
    %select_n3A_117 = arith.select %or3A_113, %parallel_loop3A_34#15, %select_n3A_101 : vector<16xi1>, vector<16xi32>
    %gt3A_118 = arith.cmpf ogt, %select_n3A_114, %select_n3A_107 : vector<16xf32>
    %eq3A_119 = arith.cmpf oeq, %select_n3A_114, %select_n3A_107 : vector<16xf32>
    %lt3A_120 = arith.cmpi slt, %select_n3A_115, %select_n3A_108 : vector<16xi32>
    %and3A_121 = arith.andi %eq3A_119, %lt3A_120 : vector<16xi1>
    %or3A_122 = arith.ori %gt3A_118, %and3A_121 : vector<16xi1>
    %select_n3A_123 = arith.select %or3A_122, %select_n3A_114, %select_n3A_107 : vector<16xi1>, vector<16xf32>
    %select_n3A_124 = arith.select %or3A_122, %select_n3A_115, %select_n3A_108 : vector<16xi1>, vector<16xi32>
    %mul3A_125 = arith.constant 16 : i32
    %mul3A_126 = vector.broadcast %mul3A_125 : i32 to vector<16xi32>
    %mul3A_127 = arith.muli %select_n3A_117, %mul3A_126 : vector<16xi32>
    %add3A_128 = arith.addi %mul3A_127, %iota3A : vector<16xi32>
    %mul3A_129 = arith.constant 16 : i32
    %mul3A_130 = vector.broadcast %mul3A_129 : i32 to vector<16xi32>
    %mul3A_131 = arith.muli %select_n3A_124, %mul3A_130 : vector<16xi32>
    %add3A_132 = arith.addi %mul3A_131, %iota3A : vector<16xi32>
    %xor3A = arith.constant 1 : i32
    %xor3A_133 = vector.broadcast %xor3A : i32 to vector<16xi32>
    %xor3A_134 = arith.xori %iota3A, %xor3A_133 : vector<16xi32>
    %broadcast_in_dim3A_135 = vector.shape_cast %xor3A_134 : vector<16xi32> to vector<16x1xi32>
    %gather3A = vector.shape_cast %broadcast_in_dim3A_135 : vector<16x1xi32> to vector<16xi32>
    %gather3A_136 = tpu.dynamic_gather %select_n3A_116[%gather3A] in [0] : vector<16xf32>, vector<16xi32> -> vector<16xf32>
    %max3A = arith.maximumf %select_n3A_116, %gather3A_136 : vector<16xf32>
    %xor3A_137 = arith.constant 2 : i32
    %xor3A_138 = vector.broadcast %xor3A_137 : i32 to vector<16xi32>
    %xor3A_139 = arith.xori %iota3A, %xor3A_138 : vector<16xi32>
    %broadcast_in_dim3A_140 = vector.shape_cast %xor3A_139 : vector<16xi32> to vector<16x1xi32>
    %gather3A_141 = vector.shape_cast %broadcast_in_dim3A_140 : vector<16x1xi32> to vector<16xi32>
    %gather3A_142 = tpu.dynamic_gather %max3A[%gather3A_141] in [0] : vector<16xf32>, vector<16xi32> -> vector<16xf32>
    %max3A_143 = arith.maximumf %max3A, %gather3A_142 : vector<16xf32>
    %xor3A_144 = arith.constant 4 : i32
    %xor3A_145 = vector.broadcast %xor3A_144 : i32 to vector<16xi32>
    %xor3A_146 = arith.xori %iota3A, %xor3A_145 : vector<16xi32>
    %broadcast_in_dim3A_147 = vector.shape_cast %xor3A_146 : vector<16xi32> to vector<16x1xi32>
    %gather3A_148 = vector.shape_cast %broadcast_in_dim3A_147 : vector<16x1xi32> to vector<16xi32>
    %gather3A_149 = tpu.dynamic_gather %max3A_143[%gather3A_148] in [0] : vector<16xf32>, vector<16xi32> -> vector<16xf32>
    %max3A_150 = arith.maximumf %max3A_143, %gather3A_149 : vector<16xf32>
    %xor3A_151 = arith.constant 8 : i32
    %xor3A_152 = vector.broadcast %xor3A_151 : i32 to vector<16xi32>
    %xor3A_153 = arith.xori %iota3A, %xor3A_152 : vector<16xi32>
    %broadcast_in_dim3A_154 = vector.shape_cast %xor3A_153 : vector<16xi32> to vector<16x1xi32>
    %gather3A_155 = vector.shape_cast %broadcast_in_dim3A_154 : vector<16x1xi32> to vector<16xi32>
    %gather3A_156 = tpu.dynamic_gather %max3A_150[%gather3A_155] in [0] : vector<16xf32>, vector<16xi32> -> vector<16xf32>
    %max3A_157 = arith.maximumf %max3A_150, %gather3A_156 : vector<16xf32>
    %eq3A_158 = arith.cmpf oeq, %select_n3A_116, %max3A_157 : vector<16xf32>
    %jit3A = arith.constant 1073741824 : i32
    %broadcast_in_dim3A_159 = vector.broadcast %jit3A : i32 to vector<16xi32>
    %select_n3A_160 = arith.select %eq3A_158, %add3A_128, %broadcast_in_dim3A_159 : vector<16xi1>, vector<16xi32>
    %xor3A_161 = arith.constant 1 : i32
    %xor3A_162 = vector.broadcast %xor3A_161 : i32 to vector<16xi32>
    %xor3A_163 = arith.xori %iota3A, %xor3A_162 : vector<16xi32>
    %broadcast_in_dim3A_164 = vector.shape_cast %xor3A_163 : vector<16xi32> to vector<16x1xi32>
    %gather3A_165 = vector.shape_cast %broadcast_in_dim3A_164 : vector<16x1xi32> to vector<16xi32>
    %gather3A_166 = tpu.dynamic_gather %select_n3A_160[%gather3A_165] in [0] : vector<16xi32>, vector<16xi32> -> vector<16xi32>
    %min3A = arith.minsi %select_n3A_160, %gather3A_166 : vector<16xi32>
    %xor3A_167 = arith.constant 2 : i32
    %xor3A_168 = vector.broadcast %xor3A_167 : i32 to vector<16xi32>
    %xor3A_169 = arith.xori %iota3A, %xor3A_168 : vector<16xi32>
    %broadcast_in_dim3A_170 = vector.shape_cast %xor3A_169 : vector<16xi32> to vector<16x1xi32>
    %gather3A_171 = vector.shape_cast %broadcast_in_dim3A_170 : vector<16x1xi32> to vector<16xi32>
    %gather3A_172 = tpu.dynamic_gather %min3A[%gather3A_171] in [0] : vector<16xi32>, vector<16xi32> -> vector<16xi32>
    %min3A_173 = arith.minsi %min3A, %gather3A_172 : vector<16xi32>
    %xor3A_174 = arith.constant 4 : i32
    %xor3A_175 = vector.broadcast %xor3A_174 : i32 to vector<16xi32>
    %xor3A_176 = arith.xori %iota3A, %xor3A_175 : vector<16xi32>
    %broadcast_in_dim3A_177 = vector.shape_cast %xor3A_176 : vector<16xi32> to vector<16x1xi32>
    %gather3A_178 = vector.shape_cast %broadcast_in_dim3A_177 : vector<16x1xi32> to vector<16xi32>
    %gather3A_179 = tpu.dynamic_gather %min3A_173[%gather3A_178] in [0] : vector<16xi32>, vector<16xi32> -> vector<16xi32>
    %min3A_180 = arith.minsi %min3A_173, %gather3A_179 : vector<16xi32>
    %xor3A_181 = arith.constant 8 : i32
    %xor3A_182 = vector.broadcast %xor3A_181 : i32 to vector<16xi32>
    %xor3A_183 = arith.xori %iota3A, %xor3A_182 : vector<16xi32>
    %broadcast_in_dim3A_184 = vector.shape_cast %xor3A_183 : vector<16xi32> to vector<16x1xi32>
    %gather3A_185 = vector.shape_cast %broadcast_in_dim3A_184 : vector<16x1xi32> to vector<16xi32>
    %gather3A_186 = tpu.dynamic_gather %min3A_180[%gather3A_185] in [0] : vector<16xi32>, vector<16xi32> -> vector<16xi32>
    %min3A_187 = arith.minsi %min3A_180, %gather3A_186 : vector<16xi32>
    %eq3A_188 = arith.cmpf oeq, %select_n3A_116, %max3A_157 : vector<16xf32>
    %eq3A_189 = arith.cmpi eq, %add3A_128, %min3A_187 : vector<16xi32>
    %and3A_190 = arith.andi %eq3A_188, %eq3A_189 : vector<16xi1>
    %select_n3A_191 = arith.select %and3A_190, %select_n3A_123, %select_n3A_116 : vector<16xi1>, vector<16xf32>
    %select_n3A_192 = arith.select %and3A_190, %add3A_132, %add3A_128 : vector<16xi1>, vector<16xi32>
    %xor3A_193 = arith.constant 1 : i32
    %xor3A_194 = vector.broadcast %xor3A_193 : i32 to vector<16xi32>
    %xor3A_195 = arith.xori %iota3A, %xor3A_194 : vector<16xi32>
    %broadcast_in_dim3A_196 = vector.shape_cast %xor3A_195 : vector<16xi32> to vector<16x1xi32>
    %gather3A_197 = vector.shape_cast %broadcast_in_dim3A_196 : vector<16x1xi32> to vector<16xi32>
    %gather3A_198 = tpu.dynamic_gather %select_n3A_191[%gather3A_197] in [0] : vector<16xf32>, vector<16xi32> -> vector<16xf32>
    %max3A_199 = arith.maximumf %select_n3A_191, %gather3A_198 : vector<16xf32>
    %xor3A_200 = arith.constant 2 : i32
    %xor3A_201 = vector.broadcast %xor3A_200 : i32 to vector<16xi32>
    %xor3A_202 = arith.xori %iota3A, %xor3A_201 : vector<16xi32>
    %broadcast_in_dim3A_203 = vector.shape_cast %xor3A_202 : vector<16xi32> to vector<16x1xi32>
    %gather3A_204 = vector.shape_cast %broadcast_in_dim3A_203 : vector<16x1xi32> to vector<16xi32>
    %gather3A_205 = tpu.dynamic_gather %max3A_199[%gather3A_204] in [0] : vector<16xf32>, vector<16xi32> -> vector<16xf32>
    %max3A_206 = arith.maximumf %max3A_199, %gather3A_205 : vector<16xf32>
    %xor3A_207 = arith.constant 4 : i32
    %xor3A_208 = vector.broadcast %xor3A_207 : i32 to vector<16xi32>
    %xor3A_209 = arith.xori %iota3A, %xor3A_208 : vector<16xi32>
    %broadcast_in_dim3A_210 = vector.shape_cast %xor3A_209 : vector<16xi32> to vector<16x1xi32>
    %gather3A_211 = vector.shape_cast %broadcast_in_dim3A_210 : vector<16x1xi32> to vector<16xi32>
    %gather3A_212 = tpu.dynamic_gather %max3A_206[%gather3A_211] in [0] : vector<16xf32>, vector<16xi32> -> vector<16xf32>
    %max3A_213 = arith.maximumf %max3A_206, %gather3A_212 : vector<16xf32>
    %xor3A_214 = arith.constant 8 : i32
    %xor3A_215 = vector.broadcast %xor3A_214 : i32 to vector<16xi32>
    %xor3A_216 = arith.xori %iota3A, %xor3A_215 : vector<16xi32>
    %broadcast_in_dim3A_217 = vector.shape_cast %xor3A_216 : vector<16xi32> to vector<16x1xi32>
    %gather3A_218 = vector.shape_cast %broadcast_in_dim3A_217 : vector<16x1xi32> to vector<16xi32>
    %gather3A_219 = tpu.dynamic_gather %max3A_213[%gather3A_218] in [0] : vector<16xf32>, vector<16xi32> -> vector<16xf32>
    %max3A_220 = arith.maximumf %max3A_213, %gather3A_219 : vector<16xf32>
    %eq3A_221 = arith.cmpf oeq, %select_n3A_191, %max3A_220 : vector<16xf32>
    %jit3A_222 = arith.constant 1073741824 : i32
    %broadcast_in_dim3A_223 = vector.broadcast %jit3A_222 : i32 to vector<16xi32>
    %select_n3A_224 = arith.select %eq3A_221, %select_n3A_192, %broadcast_in_dim3A_223 : vector<16xi1>, vector<16xi32>
    %xor3A_225 = arith.constant 1 : i32
    %xor3A_226 = vector.broadcast %xor3A_225 : i32 to vector<16xi32>
    %xor3A_227 = arith.xori %iota3A, %xor3A_226 : vector<16xi32>
    %broadcast_in_dim3A_228 = vector.shape_cast %xor3A_227 : vector<16xi32> to vector<16x1xi32>
    %gather3A_229 = vector.shape_cast %broadcast_in_dim3A_228 : vector<16x1xi32> to vector<16xi32>
    %gather3A_230 = tpu.dynamic_gather %select_n3A_224[%gather3A_229] in [0] : vector<16xi32>, vector<16xi32> -> vector<16xi32>
    %min3A_231 = arith.minsi %select_n3A_224, %gather3A_230 : vector<16xi32>
    %xor3A_232 = arith.constant 2 : i32
    %xor3A_233 = vector.broadcast %xor3A_232 : i32 to vector<16xi32>
    %xor3A_234 = arith.xori %iota3A, %xor3A_233 : vector<16xi32>
    %broadcast_in_dim3A_235 = vector.shape_cast %xor3A_234 : vector<16xi32> to vector<16x1xi32>
    %gather3A_236 = vector.shape_cast %broadcast_in_dim3A_235 : vector<16x1xi32> to vector<16xi32>
    %gather3A_237 = tpu.dynamic_gather %min3A_231[%gather3A_236] in [0] : vector<16xi32>, vector<16xi32> -> vector<16xi32>
    %min3A_238 = arith.minsi %min3A_231, %gather3A_237 : vector<16xi32>
    %xor3A_239 = arith.constant 4 : i32
    %xor3A_240 = vector.broadcast %xor3A_239 : i32 to vector<16xi32>
    %xor3A_241 = arith.xori %iota3A, %xor3A_240 : vector<16xi32>
    %broadcast_in_dim3A_242 = vector.shape_cast %xor3A_241 : vector<16xi32> to vector<16x1xi32>
    %gather3A_243 = vector.shape_cast %broadcast_in_dim3A_242 : vector<16x1xi32> to vector<16xi32>
    %gather3A_244 = tpu.dynamic_gather %min3A_238[%gather3A_243] in [0] : vector<16xi32>, vector<16xi32> -> vector<16xi32>
    %min3A_245 = arith.minsi %min3A_238, %gather3A_244 : vector<16xi32>
    %xor3A_246 = arith.constant 8 : i32
    %xor3A_247 = vector.broadcast %xor3A_246 : i32 to vector<16xi32>
    %xor3A_248 = arith.xori %iota3A, %xor3A_247 : vector<16xi32>
    %broadcast_in_dim3A_249 = vector.shape_cast %xor3A_248 : vector<16xi32> to vector<16x1xi32>
    %gather3A_250 = vector.shape_cast %broadcast_in_dim3A_249 : vector<16x1xi32> to vector<16xi32>
    %gather3A_251 = tpu.dynamic_gather %min3A_245[%gather3A_250] in [0] : vector<16xi32>, vector<16xi32> -> vector<16xi32>
    %min3A_252 = arith.minsi %min3A_245, %gather3A_251 : vector<16xi32>
    %eq3A_253 = arith.constant 0 : i32
    %eq3A_254 = vector.broadcast %eq3A_253 : i32 to vector<16xi32>
    %eq3A_255 = arith.cmpi eq, %iota3A, %eq3A_254 : vector<16xi32>
    %select_n3A_256 = arith.select %eq3A_255, %max3A_157, %broadcast_in_dim3A_14 : vector<16xi1>, vector<16xf32>
    %eq3A_257 = arith.constant 1 : i32
    %eq3A_258 = vector.broadcast %eq3A_257 : i32 to vector<16xi32>
    %eq3A_259 = arith.cmpi eq, %iota3A, %eq3A_258 : vector<16xi32>
    %select_n3A_260 = arith.select %eq3A_259, %max3A_220, %select_n3A_256 : vector<16xi1>, vector<16xf32>
    %eq3A_261 = arith.constant 0 : i32
    %eq3A_262 = vector.broadcast %eq3A_261 : i32 to vector<16xi32>
    %eq3A_263 = arith.cmpi eq, %iota3A, %eq3A_262 : vector<16xi32>
    %select_n3A_264 = arith.select %eq3A_263, %min3A_187, %broadcast_in_dim3A_16 : vector<16xi1>, vector<16xi32>
    %eq3A_265 = arith.constant 1 : i32
    %eq3A_266 = vector.broadcast %eq3A_265 : i32 to vector<16xi32>
    %eq3A_267 = arith.cmpi eq, %iota3A, %eq3A_266 : vector<16xi32>
    %select_n3A_268 = arith.select %eq3A_267, %min3A_252, %select_n3A_264 : vector<16xi1>, vector<16xi32>
    %dma_wait3A_269 = arith.constant 0 : i32
    %dma_wait3A_270 = tpu.memref_slice %arg2[%add3A_20, %dma_wait3A_269] : memref<128x32768xf32, #tpu.memory_space<hbm>> -> memref<1x32768xf32, #tpu.memory_space<hbm>>
    %dma_wait3A_271 = tpu.memref_squeeze %dma_wait3A_270 : memref<1x32768xf32, #tpu.memory_space<hbm>> -> memref<32768xf32, #tpu.memory_space<hbm>>
    %dma_wait3A_272 = arith.constant 0 : i32
    %dma_wait3A_273 = tpu.memref_slice %arg2[%add3A_20, %dma_wait3A_272] : memref<128x32768xf32, #tpu.memory_space<hbm>> -> memref<1x32768xf32, #tpu.memory_space<hbm>>
    %dma_wait3A_274 = tpu.memref_squeeze %dma_wait3A_273 : memref<1x32768xf32, #tpu.memory_space<hbm>> -> memref<32768xf32, #tpu.memory_space<hbm>>
    tpu.wait_dma2 semaphore(%arg10 : memref<!tpu.dma_semaphore, #tpu.memory_space<semaphore_mem>>) src(%dma_wait3A_274 : memref<32768xf32, #tpu.memory_space<hbm>>) dst(%arg6 : memref<32768xf32, #tpu.memory_space<vmem>>)
    %parallel_loop3A_275 = arith.constant 0 : i32
    %parallel_loop3A_276 = arith.constant 256 : i32
    %parallel_loop3A_277 = arith.constant 1 : i32
    %parallel_loop3A_278:16 = scf.for %parallel_loop3A_531 = %parallel_loop3A_275 to %parallel_loop3A_276 step %parallel_loop3A_277 iter_args(%parallel_loop3A_532 = %broadcast_in_dim3A_5, %parallel_loop3A_533 = %broadcast_in_dim3A_7, %parallel_loop3A_534 = %broadcast_in_dim3A_5, %parallel_loop3A_535 = %broadcast_in_dim3A_7, %parallel_loop3A_536 = %broadcast_in_dim3A_5, %parallel_loop3A_537 = %broadcast_in_dim3A_7, %parallel_loop3A_538 = %broadcast_in_dim3A_5, %parallel_loop3A_539 = %broadcast_in_dim3A_7, %parallel_loop3A_540 = %broadcast_in_dim3A_5, %parallel_loop3A_541 = %broadcast_in_dim3A_7, %parallel_loop3A_542 = %broadcast_in_dim3A_5, %parallel_loop3A_543 = %broadcast_in_dim3A_7, %parallel_loop3A_544 = %broadcast_in_dim3A_5, %parallel_loop3A_545 = %broadcast_in_dim3A_7, %parallel_loop3A_546 = %broadcast_in_dim3A_5, %parallel_loop3A_547 = %broadcast_in_dim3A_7) -> (vector<16xf32>, vector<16xi32>, vector<16xf32>, vector<16xi32>, vector<16xf32>, vector<16xi32>, vector<16xf32>, vector<16xi32>, vector<16xf32>, vector<16xi32>, vector<16xf32>, vector<16xi32>, vector<16xf32>, vector<16xi32>, vector<16xf32>, vector<16xi32>)  : i32 {
      %parallel_loop3A_548 = arith.constant 128 : i32
      %parallel_loop3A_549 = arith.muli %parallel_loop3A_531, %parallel_loop3A_548 : i32
      %parallel_loop3A_550 = arith.constant 8 : i32
      %parallel_loop3A_551 = arith.muli %parallel_loop3A_531, %parallel_loop3A_550 : i32
      %parallel_loop3A_552 = vector.broadcast %parallel_loop3A_551 : i32 to vector<16xi32>
      %parallel_loop3A_553 = arith.constant 0 : i32
      %parallel_loop3A_554 = arith.addi %parallel_loop3A_549, %parallel_loop3A_553 : i32
      %parallel_loop3A_555 = arith.index_cast %parallel_loop3A_554 : i32 to index
      %parallel_loop3A_556 = tpu.vector_load %arg6[%parallel_loop3A_555] {strides = array<i32>} : memref<32768xf32, #tpu.memory_space<vmem>>, vector<16xf32>,
      %parallel_loop3A_557 = arith.constant 0 : i32
      %parallel_loop3A_558 = vector.broadcast %parallel_loop3A_557 : i32 to vector<16xi32>
      %parallel_loop3A_559 = arith.addi %parallel_loop3A_552, %parallel_loop3A_558 : vector<16xi32>
      %parallel_loop3A_560 = arith.cmpf ogt, %parallel_loop3A_556, %parallel_loop3A_532 : vector<16xf32>
      %parallel_loop3A_561 = arith.select %parallel_loop3A_560, %parallel_loop3A_532, %parallel_loop3A_556 : vector<16xi1>, vector<16xf32>
      %parallel_loop3A_562 = arith.select %parallel_loop3A_560, %parallel_loop3A_533, %parallel_loop3A_559 : vector<16xi1>, vector<16xi32>
      %parallel_loop3A_563 = arith.select %parallel_loop3A_560, %parallel_loop3A_556, %parallel_loop3A_532 : vector<16xi1>, vector<16xf32>
      %parallel_loop3A_564 = arith.select %parallel_loop3A_560, %parallel_loop3A_559, %parallel_loop3A_533 : vector<16xi1>, vector<16xi32>
      %parallel_loop3A_565 = arith.cmpf ogt, %parallel_loop3A_561, %parallel_loop3A_534 : vector<16xf32>
      %parallel_loop3A_566 = arith.cmpf oeq, %parallel_loop3A_561, %parallel_loop3A_534 : vector<16xf32>
      %parallel_loop3A_567 = arith.cmpi slt, %parallel_loop3A_562, %parallel_loop3A_535 : vector<16xi32>
      %parallel_loop3A_568 = arith.andi %parallel_loop3A_566, %parallel_loop3A_567 : vector<16xi1>
      %parallel_loop3A_569 = arith.ori %parallel_loop3A_565, %parallel_loop3A_568 : vector<16xi1>
      %parallel_loop3A_570 = arith.select %parallel_loop3A_569, %parallel_loop3A_561, %parallel_loop3A_534 : vector<16xi1>, vector<16xf32>
      %parallel_loop3A_571 = arith.select %parallel_loop3A_569, %parallel_loop3A_562, %parallel_loop3A_535 : vector<16xi1>, vector<16xi32>
      %parallel_loop3A_572 = arith.constant 16 : i32
      %parallel_loop3A_573 = arith.addi %parallel_loop3A_549, %parallel_loop3A_572 : i32
      %parallel_loop3A_574 = arith.index_cast %parallel_loop3A_573 : i32 to index
      %parallel_loop3A_575 = tpu.vector_load %arg6[%parallel_loop3A_574] {strides = array<i32>} : memref<32768xf32, #tpu.memory_space<vmem>>, vector<16xf32>,
      %parallel_loop3A_576 = arith.constant 1 : i32
      %parallel_loop3A_577 = vector.broadcast %parallel_loop3A_576 : i32 to vector<16xi32>
      %parallel_loop3A_578 = arith.addi %parallel_loop3A_552, %parallel_loop3A_577 : vector<16xi32>
      %parallel_loop3A_579 = arith.cmpf ogt, %parallel_loop3A_575, %parallel_loop3A_536 : vector<16xf32>
      %parallel_loop3A_580 = arith.select %parallel_loop3A_579, %parallel_loop3A_536, %parallel_loop3A_575 : vector<16xi1>, vector<16xf32>
      %parallel_loop3A_581 = arith.select %parallel_loop3A_579, %parallel_loop3A_537, %parallel_loop3A_578 : vector<16xi1>, vector<16xi32>
      %parallel_loop3A_582 = arith.select %parallel_loop3A_579, %parallel_loop3A_575, %parallel_loop3A_536 : vector<16xi1>, vector<16xf32>
      %parallel_loop3A_583 = arith.select %parallel_loop3A_579, %parallel_loop3A_578, %parallel_loop3A_537 : vector<16xi1>, vector<16xi32>
      %parallel_loop3A_584 = arith.cmpf ogt, %parallel_loop3A_580, %parallel_loop3A_538 : vector<16xf32>
      %parallel_loop3A_585 = arith.cmpf oeq, %parallel_loop3A_580, %parallel_loop3A_538 : vector<16xf32>
      %parallel_loop3A_586 = arith.cmpi slt, %parallel_loop3A_581, %parallel_loop3A_539 : vector<16xi32>
      %parallel_loop3A_587 = arith.andi %parallel_loop3A_585, %parallel_loop3A_586 : vector<16xi1>
      %parallel_loop3A_588 = arith.ori %parallel_loop3A_584, %parallel_loop3A_587 : vector<16xi1>
      %parallel_loop3A_589 = arith.select %parallel_loop3A_588, %parallel_loop3A_580, %parallel_loop3A_538 : vector<16xi1>, vector<16xf32>
      %parallel_loop3A_590 = arith.select %parallel_loop3A_588, %parallel_loop3A_581, %parallel_loop3A_539 : vector<16xi1>, vector<16xi32>
      %parallel_loop3A_591 = arith.constant 32 : i32
      %parallel_loop3A_592 = arith.addi %parallel_loop3A_549, %parallel_loop3A_591 : i32
      %parallel_loop3A_593 = arith.index_cast %parallel_loop3A_592 : i32 to index
      %parallel_loop3A_594 = tpu.vector_load %arg6[%parallel_loop3A_593] {strides = array<i32>} : memref<32768xf32, #tpu.memory_space<vmem>>, vector<16xf32>,
      %parallel_loop3A_595 = arith.constant 2 : i32
      %parallel_loop3A_596 = vector.broadcast %parallel_loop3A_595 : i32 to vector<16xi32>
      %parallel_loop3A_597 = arith.addi %parallel_loop3A_552, %parallel_loop3A_596 : vector<16xi32>
      %parallel_loop3A_598 = arith.cmpf ogt, %parallel_loop3A_594, %parallel_loop3A_540 : vector<16xf32>
      %parallel_loop3A_599 = arith.select %parallel_loop3A_598, %parallel_loop3A_540, %parallel_loop3A_594 : vector<16xi1>, vector<16xf32>
      %parallel_loop3A_600 = arith.select %parallel_loop3A_598, %parallel_loop3A_541, %parallel_loop3A_597 : vector<16xi1>, vector<16xi32>
      %parallel_loop3A_601 = arith.select %parallel_loop3A_598, %parallel_loop3A_594, %parallel_loop3A_540 : vector<16xi1>, vector<16xf32>
      %parallel_loop3A_602 = arith.select %parallel_loop3A_598, %parallel_loop3A_597, %parallel_loop3A_541 : vector<16xi1>, vector<16xi32>
      %parallel_loop3A_603 = arith.cmpf ogt, %parallel_loop3A_599, %parallel_loop3A_542 : vector<16xf32>
      %parallel_loop3A_604 = arith.cmpf oeq, %parallel_loop3A_599, %parallel_loop3A_542 : vector<16xf32>
      %parallel_loop3A_605 = arith.cmpi slt, %parallel_loop3A_600, %parallel_loop3A_543 : vector<16xi32>
      %parallel_loop3A_606 = arith.andi %parallel_loop3A_604, %parallel_loop3A_605 : vector<16xi1>
      %parallel_loop3A_607 = arith.ori %parallel_loop3A_603, %parallel_loop3A_606 : vector<16xi1>
      %parallel_loop3A_608 = arith.select %parallel_loop3A_607, %parallel_loop3A_599, %parallel_loop3A_542 : vector<16xi1>, vector<16xf32>
      %parallel_loop3A_609 = arith.select %parallel_loop3A_607, %parallel_loop3A_600, %parallel_loop3A_543 : vector<16xi1>, vector<16xi32>
      %parallel_loop3A_610 = arith.constant 48 : i32
      %parallel_loop3A_611 = arith.addi %parallel_loop3A_549, %parallel_loop3A_610 : i32
      %parallel_loop3A_612 = arith.index_cast %parallel_loop3A_611 : i32 to index
      %parallel_loop3A_613 = tpu.vector_load %arg6[%parallel_loop3A_612] {strides = array<i32>} : memref<32768xf32, #tpu.memory_space<vmem>>, vector<16xf32>,
      %parallel_loop3A_614 = arith.constant 3 : i32
      %parallel_loop3A_615 = vector.broadcast %parallel_loop3A_614 : i32 to vector<16xi32>
      %parallel_loop3A_616 = arith.addi %parallel_loop3A_552, %parallel_loop3A_615 : vector<16xi32>
      %parallel_loop3A_617 = arith.cmpf ogt, %parallel_loop3A_613, %parallel_loop3A_544 : vector<16xf32>
      %parallel_loop3A_618 = arith.select %parallel_loop3A_617, %parallel_loop3A_544, %parallel_loop3A_613 : vector<16xi1>, vector<16xf32>
      %parallel_loop3A_619 = arith.select %parallel_loop3A_617, %parallel_loop3A_545, %parallel_loop3A_616 : vector<16xi1>, vector<16xi32>
      %parallel_loop3A_620 = arith.select %parallel_loop3A_617, %parallel_loop3A_613, %parallel_loop3A_544 : vector<16xi1>, vector<16xf32>
      %parallel_loop3A_621 = arith.select %parallel_loop3A_617, %parallel_loop3A_616, %parallel_loop3A_545 : vector<16xi1>, vector<16xi32>
      %parallel_loop3A_622 = arith.cmpf ogt, %parallel_loop3A_618, %parallel_loop3A_546 : vector<16xf32>
      %parallel_loop3A_623 = arith.cmpf oeq, %parallel_loop3A_618, %parallel_loop3A_546 : vector<16xf32>
      %parallel_loop3A_624 = arith.cmpi slt, %parallel_loop3A_619, %parallel_loop3A_547 : vector<16xi32>
      %parallel_loop3A_625 = arith.andi %parallel_loop3A_623, %parallel_loop3A_624 : vector<16xi1>
      %parallel_loop3A_626 = arith.ori %parallel_loop3A_622, %parallel_loop3A_625 : vector<16xi1>
      %parallel_loop3A_627 = arith.select %parallel_loop3A_626, %parallel_loop3A_618, %parallel_loop3A_546 : vector<16xi1>, vector<16xf32>
      %parallel_loop3A_628 = arith.select %parallel_loop3A_626, %parallel_loop3A_619, %parallel_loop3A_547 : vector<16xi1>, vector<16xi32>
      %parallel_loop3A_629 = arith.constant 64 : i32
      %parallel_loop3A_630 = arith.addi %parallel_loop3A_549, %parallel_loop3A_629 : i32
      %parallel_loop3A_631 = arith.index_cast %parallel_loop3A_630 : i32 to index
      %parallel_loop3A_632 = tpu.vector_load %arg6[%parallel_loop3A_631] {strides = array<i32>} : memref<32768xf32, #tpu.memory_space<vmem>>, vector<16xf32>,
      %parallel_loop3A_633 = arith.constant 4 : i32
      %parallel_loop3A_634 = vector.broadcast %parallel_loop3A_633 : i32 to vector<16xi32>
      %parallel_loop3A_635 = arith.addi %parallel_loop3A_552, %parallel_loop3A_634 : vector<16xi32>
      %parallel_loop3A_636 = arith.cmpf ogt, %parallel_loop3A_632, %parallel_loop3A_563 : vector<16xf32>
      %parallel_loop3A_637 = arith.select %parallel_loop3A_636, %parallel_loop3A_563, %parallel_loop3A_632 : vector<16xi1>, vector<16xf32>
      %parallel_loop3A_638 = arith.select %parallel_loop3A_636, %parallel_loop3A_564, %parallel_loop3A_635 : vector<16xi1>, vector<16xi32>
      %parallel_loop3A_639 = arith.select %parallel_loop3A_636, %parallel_loop3A_632, %parallel_loop3A_563 : vector<16xi1>, vector<16xf32>
      %parallel_loop3A_640 = arith.select %parallel_loop3A_636, %parallel_loop3A_635, %parallel_loop3A_564 : vector<16xi1>, vector<16xi32>
      %parallel_loop3A_641 = arith.cmpf ogt, %parallel_loop3A_637, %parallel_loop3A_570 : vector<16xf32>
      %parallel_loop3A_642 = arith.cmpf oeq, %parallel_loop3A_637, %parallel_loop3A_570 : vector<16xf32>
      %parallel_loop3A_643 = arith.cmpi slt, %parallel_loop3A_638, %parallel_loop3A_571 : vector<16xi32>
      %parallel_loop3A_644 = arith.andi %parallel_loop3A_642, %parallel_loop3A_643 : vector<16xi1>
      %parallel_loop3A_645 = arith.ori %parallel_loop3A_641, %parallel_loop3A_644 : vector<16xi1>
      %parallel_loop3A_646 = arith.select %parallel_loop3A_645, %parallel_loop3A_637, %parallel_loop3A_570 : vector<16xi1>, vector<16xf32>
      %parallel_loop3A_647 = arith.select %parallel_loop3A_645, %parallel_loop3A_638, %parallel_loop3A_571 : vector<16xi1>, vector<16xi32>
      %parallel_loop3A_648 = arith.constant 80 : i32
      %parallel_loop3A_649 = arith.addi %parallel_loop3A_549, %parallel_loop3A_648 : i32
      %parallel_loop3A_650 = arith.index_cast %parallel_loop3A_649 : i32 to index
      %parallel_loop3A_651 = tpu.vector_load %arg6[%parallel_loop3A_650] {strides = array<i32>} : memref<32768xf32, #tpu.memory_space<vmem>>, vector<16xf32>,
      %parallel_loop3A_652 = arith.constant 5 : i32
      %parallel_loop3A_653 = vector.broadcast %parallel_loop3A_652 : i32 to vector<16xi32>
      %parallel_loop3A_654 = arith.addi %parallel_loop3A_552, %parallel_loop3A_653 : vector<16xi32>
      %parallel_loop3A_655 = arith.cmpf ogt, %parallel_loop3A_651, %parallel_loop3A_582 : vector<16xf32>
      %parallel_loop3A_656 = arith.select %parallel_loop3A_655, %parallel_loop3A_582, %parallel_loop3A_651 : vector<16xi1>, vector<16xf32>
      %parallel_loop3A_657 = arith.select %parallel_loop3A_655, %parallel_loop3A_583, %parallel_loop3A_654 : vector<16xi1>, vector<16xi32>
      %parallel_loop3A_658 = arith.select %parallel_loop3A_655, %parallel_loop3A_651, %parallel_loop3A_582 : vector<16xi1>, vector<16xf32>
      %parallel_loop3A_659 = arith.select %parallel_loop3A_655, %parallel_loop3A_654, %parallel_loop3A_583 : vector<16xi1>, vector<16xi32>
      %parallel_loop3A_660 = arith.cmpf ogt, %parallel_loop3A_656, %parallel_loop3A_589 : vector<16xf32>
      %parallel_loop3A_661 = arith.cmpf oeq, %parallel_loop3A_656, %parallel_loop3A_589 : vector<16xf32>
      %parallel_loop3A_662 = arith.cmpi slt, %parallel_loop3A_657, %parallel_loop3A_590 : vector<16xi32>
      %parallel_loop3A_663 = arith.andi %parallel_loop3A_661, %parallel_loop3A_662 : vector<16xi1>
      %parallel_loop3A_664 = arith.ori %parallel_loop3A_660, %parallel_loop3A_663 : vector<16xi1>
      %parallel_loop3A_665 = arith.select %parallel_loop3A_664, %parallel_loop3A_656, %parallel_loop3A_589 : vector<16xi1>, vector<16xf32>
      %parallel_loop3A_666 = arith.select %parallel_loop3A_664, %parallel_loop3A_657, %parallel_loop3A_590 : vector<16xi1>, vector<16xi32>
      %parallel_loop3A_667 = arith.constant 96 : i32
      %parallel_loop3A_668 = arith.addi %parallel_loop3A_549, %parallel_loop3A_667 : i32
      %parallel_loop3A_669 = arith.index_cast %parallel_loop3A_668 : i32 to index
      %parallel_loop3A_670 = tpu.vector_load %arg6[%parallel_loop3A_669] {strides = array<i32>} : memref<32768xf32, #tpu.memory_space<vmem>>, vector<16xf32>,
      %parallel_loop3A_671 = arith.constant 6 : i32
      %parallel_loop3A_672 = vector.broadcast %parallel_loop3A_671 : i32 to vector<16xi32>
      %parallel_loop3A_673 = arith.addi %parallel_loop3A_552, %parallel_loop3A_672 : vector<16xi32>
      %parallel_loop3A_674 = arith.cmpf ogt, %parallel_loop3A_670, %parallel_loop3A_601 : vector<16xf32>
      %parallel_loop3A_675 = arith.select %parallel_loop3A_674, %parallel_loop3A_601, %parallel_loop3A_670 : vector<16xi1>, vector<16xf32>
      %parallel_loop3A_676 = arith.select %parallel_loop3A_674, %parallel_loop3A_602, %parallel_loop3A_673 : vector<16xi1>, vector<16xi32>
      %parallel_loop3A_677 = arith.select %parallel_loop3A_674, %parallel_loop3A_670, %parallel_loop3A_601 : vector<16xi1>, vector<16xf32>
      %parallel_loop3A_678 = arith.select %parallel_loop3A_674, %parallel_loop3A_673, %parallel_loop3A_602 : vector<16xi1>, vector<16xi32>
      %parallel_loop3A_679 = arith.cmpf ogt, %parallel_loop3A_675, %parallel_loop3A_608 : vector<16xf32>
      %parallel_loop3A_680 = arith.cmpf oeq, %parallel_loop3A_675, %parallel_loop3A_608 : vector<16xf32>
      %parallel_loop3A_681 = arith.cmpi slt, %parallel_loop3A_676, %parallel_loop3A_609 : vector<16xi32>
      %parallel_loop3A_682 = arith.andi %parallel_loop3A_680, %parallel_loop3A_681 : vector<16xi1>
      %parallel_loop3A_683 = arith.ori %parallel_loop3A_679, %parallel_loop3A_682 : vector<16xi1>
      %parallel_loop3A_684 = arith.select %parallel_loop3A_683, %parallel_loop3A_675, %parallel_loop3A_608 : vector<16xi1>, vector<16xf32>
      %parallel_loop3A_685 = arith.select %parallel_loop3A_683, %parallel_loop3A_676, %parallel_loop3A_609 : vector<16xi1>, vector<16xi32>
      %parallel_loop3A_686 = arith.constant 112 : i32
      %parallel_loop3A_687 = arith.addi %parallel_loop3A_549, %parallel_loop3A_686 : i32
      %parallel_loop3A_688 = arith.index_cast %parallel_loop3A_687 : i32 to index
      %parallel_loop3A_689 = tpu.vector_load %arg6[%parallel_loop3A_688] {strides = array<i32>} : memref<32768xf32, #tpu.memory_space<vmem>>, vector<16xf32>,
      %parallel_loop3A_690 = arith.constant 7 : i32
      %parallel_loop3A_691 = vector.broadcast %parallel_loop3A_690 : i32 to vector<16xi32>
      %parallel_loop3A_692 = arith.addi %parallel_loop3A_552, %parallel_loop3A_691 : vector<16xi32>
      %parallel_loop3A_693 = arith.cmpf ogt, %parallel_loop3A_689, %parallel_loop3A_620 : vector<16xf32>
      %parallel_loop3A_694 = arith.select %parallel_loop3A_693, %parallel_loop3A_620, %parallel_loop3A_689 : vector<16xi1>, vector<16xf32>
      %parallel_loop3A_695 = arith.select %parallel_loop3A_693, %parallel_loop3A_621, %parallel_loop3A_692 : vector<16xi1>, vector<16xi32>
      %parallel_loop3A_696 = arith.select %parallel_loop3A_693, %parallel_loop3A_689, %parallel_loop3A_620 : vector<16xi1>, vector<16xf32>
      %parallel_loop3A_697 = arith.select %parallel_loop3A_693, %parallel_loop3A_692, %parallel_loop3A_621 : vector<16xi1>, vector<16xi32>
      %parallel_loop3A_698 = arith.cmpf ogt, %parallel_loop3A_694, %parallel_loop3A_627 : vector<16xf32>
      %parallel_loop3A_699 = arith.cmpf oeq, %parallel_loop3A_694, %parallel_loop3A_627 : vector<16xf32>
      %parallel_loop3A_700 = arith.cmpi slt, %parallel_loop3A_695, %parallel_loop3A_628 : vector<16xi32>
      %parallel_loop3A_701 = arith.andi %parallel_loop3A_699, %parallel_loop3A_700 : vector<16xi1>
      %parallel_loop3A_702 = arith.ori %parallel_loop3A_698, %parallel_loop3A_701 : vector<16xi1>
      %parallel_loop3A_703 = arith.select %parallel_loop3A_702, %parallel_loop3A_694, %parallel_loop3A_627 : vector<16xi1>, vector<16xf32>
      %parallel_loop3A_704 = arith.select %parallel_loop3A_702, %parallel_loop3A_695, %parallel_loop3A_628 : vector<16xi1>, vector<16xi32>
      scf.yield %parallel_loop3A_639, %parallel_loop3A_640, %parallel_loop3A_646, %parallel_loop3A_647, %parallel_loop3A_658, %parallel_loop3A_659, %parallel_loop3A_665, %parallel_loop3A_666, %parallel_loop3A_677, %parallel_loop3A_678, %parallel_loop3A_684, %parallel_loop3A_685, %parallel_loop3A_696, %parallel_loop3A_697, %parallel_loop3A_703, %parallel_loop3A_704 : vector<16xf32>, vector<16xi32>, vector<16xf32>, vector<16xi32>, vector<16xf32>, vector<16xi32>, vector<16xf32>, vector<16xi32>, vector<16xf32>, vector<16xi32>, vector<16xf32>, vector<16xi32>, vector<16xf32>, vector<16xi32>, vector<16xf32>, vector<16xi32>
    } {sc.loop_unroll_factor = 1 : i64, sc.parallel_access}
    %gt3A_279 = arith.cmpf ogt, %parallel_loop3A_278#4, %parallel_loop3A_278#0 : vector<16xf32>
    %eq3A_280 = arith.cmpf oeq, %parallel_loop3A_278#4, %parallel_loop3A_278#0 : vector<16xf32>
    %lt3A_281 = arith.cmpi slt, %parallel_loop3A_278#5, %parallel_loop3A_278#1 : vector<16xi32>
    %and3A_282 = arith.andi %eq3A_280, %lt3A_281 : vector<16xi1>
    %or3A_283 = arith.ori %gt3A_279, %and3A_282 : vector<16xi1>
    %select_n3A_284 = arith.select %or3A_283, %parallel_loop3A_278#0, %parallel_loop3A_278#4 : vector<16xi1>, vector<16xf32>
    %select_n3A_285 = arith.select %or3A_283, %parallel_loop3A_278#1, %parallel_loop3A_278#5 : vector<16xi1>, vector<16xi32>
    %select_n3A_286 = arith.select %or3A_283, %parallel_loop3A_278#4, %parallel_loop3A_278#0 : vector<16xi1>, vector<16xf32>
    %select_n3A_287 = arith.select %or3A_283, %parallel_loop3A_278#5, %parallel_loop3A_278#1 : vector<16xi1>, vector<16xi32>
    %gt3A_288 = arith.cmpf ogt, %select_n3A_284, %parallel_loop3A_278#2 : vector<16xf32>
    %eq3A_289 = arith.cmpf oeq, %select_n3A_284, %parallel_loop3A_278#2 : vector<16xf32>
    %lt3A_290 = arith.cmpi slt, %select_n3A_285, %parallel_loop3A_278#3 : vector<16xi32>
    %and3A_291 = arith.andi %eq3A_289, %lt3A_290 : vector<16xi1>
    %or3A_292 = arith.ori %gt3A_288, %and3A_291 : vector<16xi1>
    %select_n3A_293 = arith.select %or3A_292, %select_n3A_284, %parallel_loop3A_278#2 : vector<16xi1>, vector<16xf32>
    %select_n3A_294 = arith.select %or3A_292, %select_n3A_285, %parallel_loop3A_278#3 : vector<16xi1>, vector<16xi32>
    %gt3A_295 = arith.cmpf ogt, %parallel_loop3A_278#6, %select_n3A_286 : vector<16xf32>
    %eq3A_296 = arith.cmpf oeq, %parallel_loop3A_278#6, %select_n3A_286 : vector<16xf32>
    %lt3A_297 = arith.cmpi slt, %parallel_loop3A_278#7, %select_n3A_287 : vector<16xi32>
    %and3A_298 = arith.andi %eq3A_296, %lt3A_297 : vector<16xi1>
    %or3A_299 = arith.ori %gt3A_295, %and3A_298 : vector<16xi1>
    %select_n3A_300 = arith.select %or3A_299, %select_n3A_286, %parallel_loop3A_278#6 : vector<16xi1>, vector<16xf32>
    %select_n3A_301 = arith.select %or3A_299, %select_n3A_287, %parallel_loop3A_278#7 : vector<16xi1>, vector<16xi32>
    %select_n3A_302 = arith.select %or3A_299, %parallel_loop3A_278#6, %select_n3A_286 : vector<16xi1>, vector<16xf32>
    %select_n3A_303 = arith.select %or3A_299, %parallel_loop3A_278#7, %select_n3A_287 : vector<16xi1>, vector<16xi32>
    %gt3A_304 = arith.cmpf ogt, %select_n3A_300, %select_n3A_293 : vector<16xf32>
    %eq3A_305 = arith.cmpf oeq, %select_n3A_300, %select_n3A_293 : vector<16xf32>
    %lt3A_306 = arith.cmpi slt, %select_n3A_301, %select_n3A_294 : vector<16xi32>
    %and3A_307 = arith.andi %eq3A_305, %lt3A_306 : vector<16xi1>
    %or3A_308 = arith.ori %gt3A_304, %and3A_307 : vector<16xi1>
    %select_n3A_309 = arith.select %or3A_308, %select_n3A_300, %select_n3A_293 : vector<16xi1>, vector<16xf32>
    %select_n3A_310 = arith.select %or3A_308, %select_n3A_301, %select_n3A_294 : vector<16xi1>, vector<16xi32>
    %gt3A_311 = arith.cmpf ogt, %parallel_loop3A_278#8, %select_n3A_302 : vector<16xf32>
    %eq3A_312 = arith.cmpf oeq, %parallel_loop3A_278#8, %select_n3A_302 : vector<16xf32>
    %lt3A_313 = arith.cmpi slt, %parallel_loop3A_278#9, %select_n3A_303 : vector<16xi32>
    %and3A_314 = arith.andi %eq3A_312, %lt3A_313 : vector<16xi1>
    %or3A_315 = arith.ori %gt3A_311, %and3A_314 : vector<16xi1>
    %select_n3A_316 = arith.select %or3A_315, %select_n3A_302, %parallel_loop3A_278#8 : vector<16xi1>, vector<16xf32>
    %select_n3A_317 = arith.select %or3A_315, %select_n3A_303, %parallel_loop3A_278#9 : vector<16xi1>, vector<16xi32>
    %select_n3A_318 = arith.select %or3A_315, %parallel_loop3A_278#8, %select_n3A_302 : vector<16xi1>, vector<16xf32>
    %select_n3A_319 = arith.select %or3A_315, %parallel_loop3A_278#9, %select_n3A_303 : vector<16xi1>, vector<16xi32>
    %gt3A_320 = arith.cmpf ogt, %select_n3A_316, %select_n3A_309 : vector<16xf32>
    %eq3A_321 = arith.cmpf oeq, %select_n3A_316, %select_n3A_309 : vector<16xf32>
    %lt3A_322 = arith.cmpi slt, %select_n3A_317, %select_n3A_310 : vector<16xi32>
    %and3A_323 = arith.andi %eq3A_321, %lt3A_322 : vector<16xi1>
    %or3A_324 = arith.ori %gt3A_320, %and3A_323 : vector<16xi1>
    %select_n3A_325 = arith.select %or3A_324, %select_n3A_316, %select_n3A_309 : vector<16xi1>, vector<16xf32>
    %select_n3A_326 = arith.select %or3A_324, %select_n3A_317, %select_n3A_310 : vector<16xi1>, vector<16xi32>
    %gt3A_327 = arith.cmpf ogt, %parallel_loop3A_278#10, %select_n3A_318 : vector<16xf32>
    %eq3A_328 = arith.cmpf oeq, %parallel_loop3A_278#10, %select_n3A_318 : vector<16xf32>
    %lt3A_329 = arith.cmpi slt, %parallel_loop3A_278#11, %select_n3A_319 : vector<16xi32>
    %and3A_330 = arith.andi %eq3A_328, %lt3A_329 : vector<16xi1>
    %or3A_331 = arith.ori %gt3A_327, %and3A_330 : vector<16xi1>
    %select_n3A_332 = arith.select %or3A_331, %select_n3A_318, %parallel_loop3A_278#10 : vector<16xi1>, vector<16xf32>
    %select_n3A_333 = arith.select %or3A_331, %select_n3A_319, %parallel_loop3A_278#11 : vector<16xi1>, vector<16xi32>
    %select_n3A_334 = arith.select %or3A_331, %parallel_loop3A_278#10, %select_n3A_318 : vector<16xi1>, vector<16xf32>
    %select_n3A_335 = arith.select %or3A_331, %parallel_loop3A_278#11, %select_n3A_319 : vector<16xi1>, vector<16xi32>
    %gt3A_336 = arith.cmpf ogt, %select_n3A_332, %select_n3A_325 : vector<16xf32>
    %eq3A_337 = arith.cmpf oeq, %select_n3A_332, %select_n3A_325 : vector<16xf32>
    %lt3A_338 = arith.cmpi slt, %select_n3A_333, %select_n3A_326 : vector<16xi32>
    %and3A_339 = arith.andi %eq3A_337, %lt3A_338 : vector<16xi1>
    %or3A_340 = arith.ori %gt3A_336, %and3A_339 : vector<16xi1>
    %select_n3A_341 = arith.select %or3A_340, %select_n3A_332, %select_n3A_325 : vector<16xi1>, vector<16xf32>
    %select_n3A_342 = arith.select %or3A_340, %select_n3A_333, %select_n3A_326 : vector<16xi1>, vector<16xi32>
    %gt3A_343 = arith.cmpf ogt, %parallel_loop3A_278#12, %select_n3A_334 : vector<16xf32>
    %eq3A_344 = arith.cmpf oeq, %parallel_loop3A_278#12, %select_n3A_334 : vector<16xf32>
    %lt3A_345 = arith.cmpi slt, %parallel_loop3A_278#13, %select_n3A_335 : vector<16xi32>
    %and3A_346 = arith.andi %eq3A_344, %lt3A_345 : vector<16xi1>
    %or3A_347 = arith.ori %gt3A_343, %and3A_346 : vector<16xi1>
    %select_n3A_348 = arith.select %or3A_347, %select_n3A_334, %parallel_loop3A_278#12 : vector<16xi1>, vector<16xf32>
    %select_n3A_349 = arith.select %or3A_347, %select_n3A_335, %parallel_loop3A_278#13 : vector<16xi1>, vector<16xi32>
    %select_n3A_350 = arith.select %or3A_347, %parallel_loop3A_278#12, %select_n3A_334 : vector<16xi1>, vector<16xf32>
    %select_n3A_351 = arith.select %or3A_347, %parallel_loop3A_278#13, %select_n3A_335 : vector<16xi1>, vector<16xi32>
    %gt3A_352 = arith.cmpf ogt, %select_n3A_348, %select_n3A_341 : vector<16xf32>
    %eq3A_353 = arith.cmpf oeq, %select_n3A_348, %select_n3A_341 : vector<16xf32>
    %lt3A_354 = arith.cmpi slt, %select_n3A_349, %select_n3A_342 : vector<16xi32>
    %and3A_355 = arith.andi %eq3A_353, %lt3A_354 : vector<16xi1>
    %or3A_356 = arith.ori %gt3A_352, %and3A_355 : vector<16xi1>
    %select_n3A_357 = arith.select %or3A_356, %select_n3A_348, %select_n3A_341 : vector<16xi1>, vector<16xf32>
    %select_n3A_358 = arith.select %or3A_356, %select_n3A_349, %select_n3A_342 : vector<16xi1>, vector<16xi32>
    %gt3A_359 = arith.cmpf ogt, %parallel_loop3A_278#14, %select_n3A_350 : vector<16xf32>
    %eq3A_360 = arith.cmpf oeq, %parallel_loop3A_278#14, %select_n3A_350 : vector<16xf32>
    %lt3A_361 = arith.cmpi slt, %parallel_loop3A_278#15, %select_n3A_351 : vector<16xi32>
    %and3A_362 = arith.andi %eq3A_360, %lt3A_361 : vector<16xi1>
    %or3A_363 = arith.ori %gt3A_359, %and3A_362 : vector<16xi1>
    %select_n3A_364 = arith.select %or3A_363, %select_n3A_350, %parallel_loop3A_278#14 : vector<16xi1>, vector<16xf32>
    %select_n3A_365 = arith.select %or3A_363, %select_n3A_351, %parallel_loop3A_278#15 : vector<16xi1>, vector<16xi32>
    %select_n3A_366 = arith.select %or3A_363, %parallel_loop3A_278#14, %select_n3A_350 : vector<16xi1>, vector<16xf32>
    %select_n3A_367 = arith.select %or3A_363, %parallel_loop3A_278#15, %select_n3A_351 : vector<16xi1>, vector<16xi32>
    %gt3A_368 = arith.cmpf ogt, %select_n3A_364, %select_n3A_357 : vector<16xf32>
    %eq3A_369 = arith.cmpf oeq, %select_n3A_364, %select_n3A_357 : vector<16xf32>
    %lt3A_370 = arith.cmpi slt, %select_n3A_365, %select_n3A_358 : vector<16xi32>
    %and3A_371 = arith.andi %eq3A_369, %lt3A_370 : vector<16xi1>
    %or3A_372 = arith.ori %gt3A_368, %and3A_371 : vector<16xi1>
    %select_n3A_373 = arith.select %or3A_372, %select_n3A_364, %select_n3A_357 : vector<16xi1>, vector<16xf32>
    %select_n3A_374 = arith.select %or3A_372, %select_n3A_365, %select_n3A_358 : vector<16xi1>, vector<16xi32>
    %mul3A_375 = arith.constant 16 : i32
    %mul3A_376 = vector.broadcast %mul3A_375 : i32 to vector<16xi32>
    %mul3A_377 = arith.muli %select_n3A_367, %mul3A_376 : vector<16xi32>
    %add3A_378 = arith.addi %mul3A_377, %iota3A : vector<16xi32>
    %mul3A_379 = arith.constant 16 : i32
    %mul3A_380 = vector.broadcast %mul3A_379 : i32 to vector<16xi32>
    %mul3A_381 = arith.muli %select_n3A_374, %mul3A_380 : vector<16xi32>
    %add3A_382 = arith.addi %mul3A_381, %iota3A : vector<16xi32>
    %xor3A_383 = arith.constant 1 : i32
    %xor3A_384 = vector.broadcast %xor3A_383 : i32 to vector<16xi32>
    %xor3A_385 = arith.xori %iota3A, %xor3A_384 : vector<16xi32>
    %broadcast_in_dim3A_386 = vector.shape_cast %xor3A_385 : vector<16xi32> to vector<16x1xi32>
    %gather3A_387 = vector.shape_cast %broadcast_in_dim3A_386 : vector<16x1xi32> to vector<16xi32>
    %gather3A_388 = tpu.dynamic_gather %select_n3A_366[%gather3A_387] in [0] : vector<16xf32>, vector<16xi32> -> vector<16xf32>
    %max3A_389 = arith.maximumf %select_n3A_366, %gather3A_388 : vector<16xf32>
    %xor3A_390 = arith.constant 2 : i32
    %xor3A_391 = vector.broadcast %xor3A_390 : i32 to vector<16xi32>
    %xor3A_392 = arith.xori %iota3A, %xor3A_391 : vector<16xi32>
    %broadcast_in_dim3A_393 = vector.shape_cast %xor3A_392 : vector<16xi32> to vector<16x1xi32>
    %gather3A_394 = vector.shape_cast %broadcast_in_dim3A_393 : vector<16x1xi32> to vector<16xi32>
    %gather3A_395 = tpu.dynamic_gather %max3A_389[%gather3A_394] in [0] : vector<16xf32>, vector<16xi32> -> vector<16xf32>
    %max3A_396 = arith.maximumf %max3A_389, %gather3A_395 : vector<16xf32>
    %xor3A_397 = arith.constant 4 : i32
    %xor3A_398 = vector.broadcast %xor3A_397 : i32 to vector<16xi32>
    %xor3A_399 = arith.xori %iota3A, %xor3A_398 : vector<16xi32>
    %broadcast_in_dim3A_400 = vector.shape_cast %xor3A_399 : vector<16xi32> to vector<16x1xi32>
    %gather3A_401 = vector.shape_cast %broadcast_in_dim3A_400 : vector<16x1xi32> to vector<16xi32>
    %gather3A_402 = tpu.dynamic_gather %max3A_396[%gather3A_401] in [0] : vector<16xf32>, vector<16xi32> -> vector<16xf32>
    %max3A_403 = arith.maximumf %max3A_396, %gather3A_402 : vector<16xf32>
    %xor3A_404 = arith.constant 8 : i32
    %xor3A_405 = vector.broadcast %xor3A_404 : i32 to vector<16xi32>
    %xor3A_406 = arith.xori %iota3A, %xor3A_405 : vector<16xi32>
    %broadcast_in_dim3A_407 = vector.shape_cast %xor3A_406 : vector<16xi32> to vector<16x1xi32>
    %gather3A_408 = vector.shape_cast %broadcast_in_dim3A_407 : vector<16x1xi32> to vector<16xi32>
    %gather3A_409 = tpu.dynamic_gather %max3A_403[%gather3A_408] in [0] : vector<16xf32>, vector<16xi32> -> vector<16xf32>
    %max3A_410 = arith.maximumf %max3A_403, %gather3A_409 : vector<16xf32>
    %eq3A_411 = arith.cmpf oeq, %select_n3A_366, %max3A_410 : vector<16xf32>
    %jit3A_412 = arith.constant 1073741824 : i32
    %broadcast_in_dim3A_413 = vector.broadcast %jit3A_412 : i32 to vector<16xi32>
    %select_n3A_414 = arith.select %eq3A_411, %add3A_378, %broadcast_in_dim3A_413 : vector<16xi1>, vector<16xi32>
    %xor3A_415 = arith.constant 1 : i32
    %xor3A_416 = vector.broadcast %xor3A_415 : i32 to vector<16xi32>
    %xor3A_417 = arith.xori %iota3A, %xor3A_416 : vector<16xi32>
    %broadcast_in_dim3A_418 = vector.shape_cast %xor3A_417 : vector<16xi32> to vector<16x1xi32>
    %gather3A_419 = vector.shape_cast %broadcast_in_dim3A_418 : vector<16x1xi32> to vector<16xi32>
    %gather3A_420 = tpu.dynamic_gather %select_n3A_414[%gather3A_419] in [0] : vector<16xi32>, vector<16xi32> -> vector<16xi32>
    %min3A_421 = arith.minsi %select_n3A_414, %gather3A_420 : vector<16xi32>
    %xor3A_422 = arith.constant 2 : i32
    %xor3A_423 = vector.broadcast %xor3A_422 : i32 to vector<16xi32>
    %xor3A_424 = arith.xori %iota3A, %xor3A_423 : vector<16xi32>
    %broadcast_in_dim3A_425 = vector.shape_cast %xor3A_424 : vector<16xi32> to vector<16x1xi32>
    %gather3A_426 = vector.shape_cast %broadcast_in_dim3A_425 : vector<16x1xi32> to vector<16xi32>
    %gather3A_427 = tpu.dynamic_gather %min3A_421[%gather3A_426] in [0] : vector<16xi32>, vector<16xi32> -> vector<16xi32>
    %min3A_428 = arith.minsi %min3A_421, %gather3A_427 : vector<16xi32>
    %xor3A_429 = arith.constant 4 : i32
    %xor3A_430 = vector.broadcast %xor3A_429 : i32 to vector<16xi32>
    %xor3A_431 = arith.xori %iota3A, %xor3A_430 : vector<16xi32>
    %broadcast_in_dim3A_432 = vector.shape_cast %xor3A_431 : vector<16xi32> to vector<16x1xi32>
    %gather3A_433 = vector.shape_cast %broadcast_in_dim3A_432 : vector<16x1xi32> to vector<16xi32>
    %gather3A_434 = tpu.dynamic_gather %min3A_428[%gather3A_433] in [0] : vector<16xi32>, vector<16xi32> -> vector<16xi32>
    %min3A_435 = arith.minsi %min3A_428, %gather3A_434 : vector<16xi32>
    %xor3A_436 = arith.constant 8 : i32
    %xor3A_437 = vector.broadcast %xor3A_436 : i32 to vector<16xi32>
    %xor3A_438 = arith.xori %iota3A, %xor3A_437 : vector<16xi32>
    %broadcast_in_dim3A_439 = vector.shape_cast %xor3A_438 : vector<16xi32> to vector<16x1xi32>
    %gather3A_440 = vector.shape_cast %broadcast_in_dim3A_439 : vector<16x1xi32> to vector<16xi32>
    %gather3A_441 = tpu.dynamic_gather %min3A_435[%gather3A_440] in [0] : vector<16xi32>, vector<16xi32> -> vector<16xi32>
    %min3A_442 = arith.minsi %min3A_435, %gather3A_441 : vector<16xi32>
    %eq3A_443 = arith.cmpf oeq, %select_n3A_366, %max3A_410 : vector<16xf32>
    %eq3A_444 = arith.cmpi eq, %add3A_378, %min3A_442 : vector<16xi32>
    %and3A_445 = arith.andi %eq3A_443, %eq3A_444 : vector<16xi1>
    %select_n3A_446 = arith.select %and3A_445, %select_n3A_373, %select_n3A_366 : vector<16xi1>, vector<16xf32>
    %select_n3A_447 = arith.select %and3A_445, %add3A_382, %add3A_378 : vector<16xi1>, vector<16xi32>
    %xor3A_448 = arith.constant 1 : i32
    %xor3A_449 = vector.broadcast %xor3A_448 : i32 to vector<16xi32>
    %xor3A_450 = arith.xori %iota3A, %xor3A_449 : vector<16xi32>
    %broadcast_in_dim3A_451 = vector.shape_cast %xor3A_450 : vector<16xi32> to vector<16x1xi32>
    %gather3A_452 = vector.shape_cast %broadcast_in_dim3A_451 : vector<16x1xi32> to vector<16xi32>
    %gather3A_453 = tpu.dynamic_gather %select_n3A_446[%gather3A_452] in [0] : vector<16xf32>, vector<16xi32> -> vector<16xf32>
    %max3A_454 = arith.maximumf %select_n3A_446, %gather3A_453 : vector<16xf32>
    %xor3A_455 = arith.constant 2 : i32
    %xor3A_456 = vector.broadcast %xor3A_455 : i32 to vector<16xi32>
    %xor3A_457 = arith.xori %iota3A, %xor3A_456 : vector<16xi32>
    %broadcast_in_dim3A_458 = vector.shape_cast %xor3A_457 : vector<16xi32> to vector<16x1xi32>
    %gather3A_459 = vector.shape_cast %broadcast_in_dim3A_458 : vector<16x1xi32> to vector<16xi32>
    %gather3A_460 = tpu.dynamic_gather %max3A_454[%gather3A_459] in [0] : vector<16xf32>, vector<16xi32> -> vector<16xf32>
    %max3A_461 = arith.maximumf %max3A_454, %gather3A_460 : vector<16xf32>
    %xor3A_462 = arith.constant 4 : i32
    %xor3A_463 = vector.broadcast %xor3A_462 : i32 to vector<16xi32>
    %xor3A_464 = arith.xori %iota3A, %xor3A_463 : vector<16xi32>
    %broadcast_in_dim3A_465 = vector.shape_cast %xor3A_464 : vector<16xi32> to vector<16x1xi32>
    %gather3A_466 = vector.shape_cast %broadcast_in_dim3A_465 : vector<16x1xi32> to vector<16xi32>
    %gather3A_467 = tpu.dynamic_gather %max3A_461[%gather3A_466] in [0] : vector<16xf32>, vector<16xi32> -> vector<16xf32>
    %max3A_468 = arith.maximumf %max3A_461, %gather3A_467 : vector<16xf32>
    %xor3A_469 = arith.constant 8 : i32
    %xor3A_470 = vector.broadcast %xor3A_469 : i32 to vector<16xi32>
    %xor3A_471 = arith.xori %iota3A, %xor3A_470 : vector<16xi32>
    %broadcast_in_dim3A_472 = vector.shape_cast %xor3A_471 : vector<16xi32> to vector<16x1xi32>
    %gather3A_473 = vector.shape_cast %broadcast_in_dim3A_472 : vector<16x1xi32> to vector<16xi32>
    %gather3A_474 = tpu.dynamic_gather %max3A_468[%gather3A_473] in [0] : vector<16xf32>, vector<16xi32> -> vector<16xf32>
    %max3A_475 = arith.maximumf %max3A_468, %gather3A_474 : vector<16xf32>
    %eq3A_476 = arith.cmpf oeq, %select_n3A_446, %max3A_475 : vector<16xf32>
    %jit3A_477 = arith.constant 1073741824 : i32
    %broadcast_in_dim3A_478 = vector.broadcast %jit3A_477 : i32 to vector<16xi32>
    %select_n3A_479 = arith.select %eq3A_476, %select_n3A_447, %broadcast_in_dim3A_478 : vector<16xi1>, vector<16xi32>
    %xor3A_480 = arith.constant 1 : i32
    %xor3A_481 = vector.broadcast %xor3A_480 : i32 to vector<16xi32>
    %xor3A_482 = arith.xori %iota3A, %xor3A_481 : vector<16xi32>
    %broadcast_in_dim3A_483 = vector.shape_cast %xor3A_482 : vector<16xi32> to vector<16x1xi32>
    %gather3A_484 = vector.shape_cast %broadcast_in_dim3A_483 : vector<16x1xi32> to vector<16xi32>
    %gather3A_485 = tpu.dynamic_gather %select_n3A_479[%gather3A_484] in [0] : vector<16xi32>, vector<16xi32> -> vector<16xi32>
    %min3A_486 = arith.minsi %select_n3A_479, %gather3A_485 : vector<16xi32>
    %xor3A_487 = arith.constant 2 : i32
    %xor3A_488 = vector.broadcast %xor3A_487 : i32 to vector<16xi32>
    %xor3A_489 = arith.xori %iota3A, %xor3A_488 : vector<16xi32>
    %broadcast_in_dim3A_490 = vector.shape_cast %xor3A_489 : vector<16xi32> to vector<16x1xi32>
    %gather3A_491 = vector.shape_cast %broadcast_in_dim3A_490 : vector<16x1xi32> to vector<16xi32>
    %gather3A_492 = tpu.dynamic_gather %min3A_486[%gather3A_491] in [0] : vector<16xi32>, vector<16xi32> -> vector<16xi32>
    %min3A_493 = arith.minsi %min3A_486, %gather3A_492 : vector<16xi32>
    %xor3A_494 = arith.constant 4 : i32
    %xor3A_495 = vector.broadcast %xor3A_494 : i32 to vector<16xi32>
    %xor3A_496 = arith.xori %iota3A, %xor3A_495 : vector<16xi32>
    %broadcast_in_dim3A_497 = vector.shape_cast %xor3A_496 : vector<16xi32> to vector<16x1xi32>
    %gather3A_498 = vector.shape_cast %broadcast_in_dim3A_497 : vector<16x1xi32> to vector<16xi32>
    %gather3A_499 = tpu.dynamic_gather %min3A_493[%gather3A_498] in [0] : vector<16xi32>, vector<16xi32> -> vector<16xi32>
    %min3A_500 = arith.minsi %min3A_493, %gather3A_499 : vector<16xi32>
    %xor3A_501 = arith.constant 8 : i32
    %xor3A_502 = vector.broadcast %xor3A_501 : i32 to vector<16xi32>
    %xor3A_503 = arith.xori %iota3A, %xor3A_502 : vector<16xi32>
    %broadcast_in_dim3A_504 = vector.shape_cast %xor3A_503 : vector<16xi32> to vector<16x1xi32>
    %gather3A_505 = vector.shape_cast %broadcast_in_dim3A_504 : vector<16x1xi32> to vector<16xi32>
    %gather3A_506 = tpu.dynamic_gather %min3A_500[%gather3A_505] in [0] : vector<16xi32>, vector<16xi32> -> vector<16xi32>
    %min3A_507 = arith.minsi %min3A_500, %gather3A_506 : vector<16xi32>
    %eq3A_508 = arith.constant 2 : i32
    %eq3A_509 = vector.broadcast %eq3A_508 : i32 to vector<16xi32>
    %eq3A_510 = arith.cmpi eq, %iota3A, %eq3A_509 : vector<16xi32>
    %select_n3A_511 = arith.select %eq3A_510, %max3A_410, %select_n3A_260 : vector<16xi1>, vector<16xf32>
    %eq3A_512 = arith.constant 3 : i32
    %eq3A_513 = vector.broadcast %eq3A_512 : i32 to vector<16xi32>
    %eq3A_514 = arith.cmpi eq, %iota3A, %eq3A_513 : vector<16xi32>
    %select_n3A_515 = arith.select %eq3A_514, %max3A_475, %select_n3A_511 : vector<16xi1>, vector<16xf32>
    %eq3A_516 = arith.constant 2 : i32
    %eq3A_517 = vector.broadcast %eq3A_516 : i32 to vector<16xi32>
    %eq3A_518 = arith.cmpi eq, %iota3A, %eq3A_517 : vector<16xi32>
    %select_n3A_519 = arith.select %eq3A_518, %min3A_442, %select_n3A_268 : vector<16xi1>, vector<16xi32>
    %eq3A_520 = arith.constant 3 : i32
    %eq3A_521 = vector.broadcast %eq3A_520 : i32 to vector<16xi32>
    %eq3A_522 = arith.cmpi eq, %iota3A, %eq3A_521 : vector<16xi32>
    %select_n3A_523 = arith.select %eq3A_522, %min3A_507, %select_n3A_519 : vector<16xi1>, vector<16xi32>
    %swap3A = arith.constant 0 : index
    %swap3A_524 = tpu.vector_load %arg7[%swap3A] {strides = array<i32>} : memref<16xf32, #tpu.memory_space<vmem>>, vector<16xf32>,
    tpu.vector_store %arg7[%swap3A], %select_n3A_515 {strides = array<i32>} : memref<16xf32, #tpu.memory_space<vmem>>, vector<16xf32>,
    %swap3A_525 = arith.constant 0 : index
    %swap3A_526 = tpu.vector_load %arg8[%swap3A_525] {strides = array<i32>} : memref<16xi32, #tpu.memory_space<vmem>>, vector<16xi32>,
    tpu.vector_store %arg8[%swap3A_525], %select_n3A_523 {strides = array<i32>} : memref<16xi32, #tpu.memory_space<vmem>>, vector<16xi32>,
    %mul3A_527 = arith.constant 8 : i32
    %mul3A_528 = arith.muli %add3A, %mul3A_527 : i32
    "tpu.region"() ({
      %run_scoped3A = tpu.sem_alloc : memref<!tpu.dma_semaphore, #tpu.memory_space<semaphore_mem>>
      %dma_start3A_531 = arith.constant 0 : i32
      %dma_start3A_532 = tpu.memref_slice %arg7[%dma_start3A_531] : memref<16xf32, #tpu.memory_space<vmem>> -> memref<8xf32, #tpu.memory_space<vmem>>
      %dma_start3A_533 = tpu.memref_slice %arg3[%mul3A_528] : memref<256xf32, #tpu.memory_space<hbm>> -> memref<8xf32, #tpu.memory_space<hbm>>
      %dma_start3A_534 = tpu.memref_slice %arg3[%mul3A_528] : memref<256xf32, #tpu.memory_space<hbm>> -> memref<8xf32, #tpu.memory_space<hbm>>
      %dma_start3A_535 = arith.constant 0 : i32
      %dma_start3A_536 = tpu.memref_slice %arg7[%dma_start3A_535] : memref<16xf32, #tpu.memory_space<vmem>> -> memref<8xf32, #tpu.memory_space<vmem>>
      tpu.enqueue_dma source(%dma_start3A_536 : memref<8xf32, #tpu.memory_space<vmem>>) target(%dma_start3A_534 : memref<8xf32, #tpu.memory_space<hbm>>) target_semaphore(%run_scoped3A : memref<!tpu.dma_semaphore, #tpu.memory_space<semaphore_mem>>)
      %dma_wait3A_537 = arith.constant 0 : i32
      %dma_wait3A_538 = tpu.memref_slice %arg7[%dma_wait3A_537] : memref<16xf32, #tpu.memory_space<vmem>> -> memref<8xf32, #tpu.memory_space<vmem>>
      %dma_wait3A_539 = tpu.memref_slice %arg3[%mul3A_528] : memref<256xf32, #tpu.memory_space<hbm>> -> memref<8xf32, #tpu.memory_space<hbm>>
      %dma_wait3A_540 = tpu.memref_slice %arg3[%mul3A_528] : memref<256xf32, #tpu.memory_space<hbm>> -> memref<8xf32, #tpu.memory_space<hbm>>
      %dma_wait3A_541 = arith.constant 0 : i32
      %dma_wait3A_542 = tpu.memref_slice %arg7[%dma_wait3A_541] : memref<16xf32, #tpu.memory_space<vmem>> -> memref<8xf32, #tpu.memory_space<vmem>>
      tpu.wait_dma2 semaphore(%run_scoped3A : memref<!tpu.dma_semaphore, #tpu.memory_space<semaphore_mem>>) src(%dma_wait3A_542 : memref<8xf32, #tpu.memory_space<vmem>>) dst(%dma_wait3A_540 : memref<8xf32, #tpu.memory_space<hbm>>)
      tpu.yield
    }) : () -> ()
    %mul3A_529 = arith.constant 8 : i32
    %mul3A_530 = arith.muli %add3A, %mul3A_529 : i32
    "tpu.region"() ({
      %run_scoped3A = tpu.sem_alloc : memref<!tpu.dma_semaphore, #tpu.memory_space<semaphore_mem>>
      %dma_start3A_531 = arith.constant 0 : i32
      %dma_start3A_532 = tpu.memref_slice %arg8[%dma_start3A_531] : memref<16xi32, #tpu.memory_space<vmem>> -> memref<8xi32, #tpu.memory_space<vmem>>
      %dma_start3A_533 = tpu.memref_slice %arg4[%mul3A_530] : memref<256xi32, #tpu.memory_space<hbm>> -> memref<8xi32, #tpu.memory_space<hbm>>
      %dma_start3A_534 = tpu.memref_slice %arg4[%mul3A_530] : memref<256xi32, #tpu.memory_space<hbm>> -> memref<8xi32, #tpu.memory_space<hbm>>
      %dma_start3A_535 = arith.constant 0 : i32
      %dma_start3A_536 = tpu.memref_slice %arg8[%dma_start3A_535] : memref<16xi32, #tpu.memory_space<vmem>> -> memref<8xi32, #tpu.memory_space<vmem>>
      tpu.enqueue_dma source(%dma_start3A_536 : memref<8xi32, #tpu.memory_space<vmem>>) target(%dma_start3A_534 : memref<8xi32, #tpu.memory_space<hbm>>) target_semaphore(%run_scoped3A : memref<!tpu.dma_semaphore, #tpu.memory_space<semaphore_mem>>)
      %dma_wait3A_537 = arith.constant 0 : i32
      %dma_wait3A_538 = tpu.memref_slice %arg8[%dma_wait3A_537] : memref<16xi32, #tpu.memory_space<vmem>> -> memref<8xi32, #tpu.memory_space<vmem>>
      %dma_wait3A_539 = tpu.memref_slice %arg4[%mul3A_530] : memref<256xi32, #tpu.memory_space<hbm>> -> memref<8xi32, #tpu.memory_space<hbm>>
      %dma_wait3A_540 = tpu.memref_slice %arg4[%mul3A_530] : memref<256xi32, #tpu.memory_space<hbm>> -> memref<8xi32, #tpu.memory_space<hbm>>
      %dma_wait3A_541 = arith.constant 0 : i32
      %dma_wait3A_542 = tpu.memref_slice %arg8[%dma_wait3A_541] : memref<16xi32, #tpu.memory_space<vmem>> -> memref<8xi32, #tpu.memory_space<vmem>>
      tpu.wait_dma2 semaphore(%run_scoped3A : memref<!tpu.dma_semaphore, #tpu.memory_space<semaphore_mem>>) src(%dma_wait3A_542 : memref<8xi32, #tpu.memory_space<vmem>>) dst(%dma_wait3A_540 : memref<8xi32, #tpu.memory_space<hbm>>)
      tpu.yield
    }) : () -> ()
    return
  }
}

module attributes {stable_mosaic.version = 14 : i64} {
  func.func @_tc_topk2_body(%arg0: i32, %arg1: memref<8x32768xf32, #tpu.memory_space<vmem>>, %arg2: memref<8x2xf32, #tpu.memory_space<vmem>>, %arg3: memref<8x2xi32, #tpu.memory_space<vmem>>) attributes {dimension_semantics = [#tpu.dimension_semantics<arbitrary>], iteration_bounds = array<i64: 8>, scalar_prefetch = 0 : i64, scratch_operands = 0 : i64, tpu.core_type = #tpu.core_type<tc>, window_params = [{transform_indices = @transform_0, window_bounds = array<i64: 8, 32768>}, {transform_indices = @transform_1, window_bounds = array<i64: 8, 2>}, {transform_indices = @transform_2, window_bounds = array<i64: 8, 2>}]} {
    %get3A = arith.constant 0 : index
    %get3A_0 = arith.constant 0 : index
    %get3A_1 = vector.load %arg1[%get3A, %get3A_0] : memref<8x32768xf32, #tpu.memory_space<vmem>>, vector<8x32768xf32>
    %iota3A = tpu.iota {dimensions = array<i32: 1>} : vector<8x32768xi32>
    %reduce_max3A = arith.constant dense<0xFF800000> : vector<8xf32>
    %reduce_max3A_2 = vector.multi_reduction <maximumf>, %get3A_1, %reduce_max3A [1] : vector<8x32768xf32> to vector<8xf32>
    %broadcast_in_dim3A = vector.shape_cast %reduce_max3A_2 : vector<8xf32> to vector<8x1xf32>
    %eq3A = vector.broadcast %broadcast_in_dim3A : vector<8x1xf32> to vector<8x32768xf32>
    %eq3A_3 = arith.cmpf oeq, %get3A_1, %eq3A : vector<8x32768xf32>
    %jit3A = arith.constant 1073741824 : i32
    %broadcast_in_dim3A_4 = vector.broadcast %jit3A : i32 to vector<8x32768xi32>
    %select_n3A = arith.select %eq3A_3, %iota3A, %broadcast_in_dim3A_4 : vector<8x32768xi1>, vector<8x32768xi32>
    %reduce_min3A = arith.constant dense<2147483647> : vector<8xi32>
    %reduce_min3A_5 = vector.multi_reduction <minsi>, %select_n3A, %reduce_min3A [1] : vector<8x32768xi32> to vector<8xi32>
    %broadcast_in_dim3A_6 = vector.shape_cast %reduce_min3A_5 : vector<8xi32> to vector<8x1xi32>
    %eq3A_7 = vector.broadcast %broadcast_in_dim3A_6 : vector<8x1xi32> to vector<8x32768xi32>
    %eq3A_8 = arith.cmpi eq, %iota3A, %eq3A_7 : vector<8x32768xi32>
    %jit3A_9 = arith.constant 0xFF800000 : f32
    %broadcast_in_dim3A_10 = vector.broadcast %jit3A_9 : f32 to vector<8x32768xf32>
    %select_n3A_11 = arith.select %eq3A_8, %broadcast_in_dim3A_10, %get3A_1 : vector<8x32768xi1>, vector<8x32768xf32>
    %reduce_max3A_12 = arith.constant dense<0xFF800000> : vector<8xf32>
    %reduce_max3A_13 = vector.multi_reduction <maximumf>, %select_n3A_11, %reduce_max3A_12 [1] : vector<8x32768xf32> to vector<8xf32>
    %broadcast_in_dim3A_14 = vector.shape_cast %reduce_max3A_13 : vector<8xf32> to vector<8x1xf32>
    %eq3A_15 = vector.broadcast %broadcast_in_dim3A_14 : vector<8x1xf32> to vector<8x32768xf32>
    %eq3A_16 = arith.cmpf oeq, %select_n3A_11, %eq3A_15 : vector<8x32768xf32>
    %jit3A_17 = arith.constant 1073741824 : i32
    %broadcast_in_dim3A_18 = vector.broadcast %jit3A_17 : i32 to vector<8x32768xi32>
    %select_n3A_19 = arith.select %eq3A_16, %iota3A, %broadcast_in_dim3A_18 : vector<8x32768xi1>, vector<8x32768xi32>
    %reduce_min3A_20 = arith.constant dense<2147483647> : vector<8xi32>
    %reduce_min3A_21 = vector.multi_reduction <minsi>, %select_n3A_19, %reduce_min3A_20 [1] : vector<8x32768xi32> to vector<8xi32>
    %broadcast_in_dim3A_22 = vector.shape_cast %reduce_min3A_21 : vector<8xi32> to vector<8x1xi32>
    %concatenate3A = tpu.concatenate %broadcast_in_dim3A, %broadcast_in_dim3A_14 in 1 : vector<8x1xf32>, vector<8x1xf32> -> vector<8x2xf32>
    %swap3A = arith.constant 0 : index
    %swap3A_23 = arith.constant 0 : index
    %swap3A_24 = vector.load %arg2[%swap3A, %swap3A_23] : memref<8x2xf32, #tpu.memory_space<vmem>>, vector<8x2xf32>
    tpu.vector_store %arg2[%swap3A, %swap3A_23], %concatenate3A {strides = array<i32>} : memref<8x2xf32, #tpu.memory_space<vmem>>, vector<8x2xf32>,
    %concatenate3A_25 = tpu.concatenate %broadcast_in_dim3A_6, %broadcast_in_dim3A_22 in 1 : vector<8x1xi32>, vector<8x1xi32> -> vector<8x2xi32>
    %swap3A_26 = arith.constant 0 : index
    %swap3A_27 = arith.constant 0 : index
    %swap3A_28 = vector.load %arg3[%swap3A_26, %swap3A_27] : memref<8x2xi32, #tpu.memory_space<vmem>>, vector<8x2xi32>
    tpu.vector_store %arg3[%swap3A_26, %swap3A_27], %concatenate3A_25 {strides = array<i32>} : memref<8x2xi32, #tpu.memory_space<vmem>>, vector<8x2xi32>,
    return
  }
  func.func @transform_0(%arg0: i32) -> (i32, i32) {
    %c0_i32 = arith.constant 0 : i32
    %c0_i32_0 = arith.constant 0 : i32
    return %arg0, %c0_i32 : i32, i32
  }
  func.func @transform_1(%arg0: i32) -> (i32, i32) {
    %c0_i32 = arith.constant 0 : i32
    %c0_i32_0 = arith.constant 0 : i32
    return %arg0, %c0_i32 : i32, i32
  }
  func.func @transform_2(%arg0: i32) -> (i32, i32) {
    %c0_i32 = arith.constant 0 : i32
    %c0_i32_0 = arith.constant 0 : i32
    return %arg0, %c0_i32 : i32, i32
  }
}

</mosaic_0001>

<sc_bundles>
// kernel: kernel.4.cloned.1.call-start
scs
__scs_entry_jumppad:
0x0: {  	(pc) =	sbr.rel $0x88, $3  }
0x1: {  	(tag) =	ssettag $0x0;
	lr =	simm.s32 $0x1  }
0x2: {  	[smem:$0x3FA0] =	sst lr;
	_ =	strace $0xD0000000  }
0x3: {  	_ = 	snop  }
0x4: {  	_ = 	snop  }
0x5: {  	_ = 	snop  }
0x6: {  	_ = 	snop  }
0x7: {  	_ = 	snop  }
__scs_overlays_trampoline_lowered:
0x8: {  	[smem:$0x3FAF] =	sst s0  }
0x9: {  	[smem:$0x3FB0] =	sst s1  }
0xa: {  	[smem:$0x3FB1] =	sst s2  }
0xb: {  	[smem:$0x3FB2] =	sst s3  }
0xc: {  	[smem:$0x3FB3] =	sst s4  }
0xd: {  	[smem:$0x3FB4] =	sst s5  }
0xe: {  	[smem:$0x3FB5] =	sst s6  }
0xf: {  	[smem:$0x3FB6] =	sst s7  }
0x10: {  	[smem:$0x3FB7] =	sst s8  }
0x11: {  	[smem:$0x3FB8] =	sst s9;
	s0 =	simm.s32 @!p0 $0x0  }
0x12: {  	s1 =	sld [smem:$0x3F9E];
	s0 =	simm.s32 @p0 $0x1  }
0x13: {  	[smem:$0x3FB9] =	sst s0;
	s0 =	simm.s32 @!p1 $0x0  }
0x14: {  	s2 =	sld [smem:$0x3F9D];
	s0 =	simm.s32 @p1 $0x1  }
0x15: {  	[smem:$0x3FBA] =	sst s0;
	s0 =	simm.s32 @!p2 $0x0  }
0x16: {  	s3 =	sld [smem:$0x3FDB];
	s0 =	simm.s32 @p2 $0x1  }
0x17: {  	s4 =	simm.s32 $0x1BF5;
	[smem:$0x3FBC] =	sst s0  }
0x18: {  	s0 =	sld [smem:$0x3F9F];
	_ =	swait.ge [sflag:s4], $0x0  }
0x19: {  	s7 =	sld [smem:$0x3FA0]  }
0x1a: {  	s8 =	sadd.s32 $0xFFFFE003, lr  }
0x1b: {  	s9 =	sadd.s32 $0xFFFFFEF7, lr;
	s5 =	simm.s32 $0xFFFFFFFF;
	p2 =	slt.u32 s8, $0xFFFFF086  }
0x1c: {  	p1 =	slt.u32 s9, $0xF7A;
	s5 =	simm.s32 @!p2 $0x0  }
0x1d: {  	s5 =	simm.s32 @p1 $0x1;
	p0 =	seq.s32 s7, s2  }
0x1e: {  	s7 =	smul.u32 @!p0 $0xF7A, s2;
	p2 =	seq.s32 @!p0 s5, $0x0  }
0x1f: {  	s9 =	smul.u32 $0xF7A, s1;
	s8 =	simm.s32 @!p0 $0x1BF5;
	p2 =	por !p2, p0  }
0x20: {  	[sflag:s8] =	ssyncset.s32 @!p0 $0xFFFFF086;
	s6 =	sadd.s32 @!p0 s3, s7;
	s7 =	simm.s32 @!p0 $0x108  }
0x21: {  	s3 =	sadd.s32 s3, s9;
	s6 =	sadd.s32 @!p0 $0x88, s6;
	s7 =	simm.s32 @p2 $0x1082  }
0x22: {  	[simem:s7], [sflag:s8] =	dma.local @!p0 [hbm:s6], $0xF7A  }
0x23: {  	s9 =	sor.u32 $0xD0000000, s2;
	s6 =	simm.s32 $0x108;
	_ =	swait.ge @!p0 [sflag:s8], $0x0  }
0x24: {  	s3 =	sadd.s32 $0x88, s3;
	s6 =	simm.s32 @!p1 $0x1082;
	[sflag:s4] =	ssyncset.s32 $0xFFFFF086  }
0x25: {  	[simem:s6], [sflag:s4] =	dma.local [hbm:s3], $0xF7A  }
0x26: {  	[smem:$0x3FA0] =	sst s1;
	(tag) =	ssettag s2;
	_ =	strace s9  }
0x27: {  	s1 =	sld [smem:$0x3FB0]  }
0x28: {  	s2 =	sld [smem:$0x3FB1]  }
0x29: {  	s4 =	sld [smem:$0x3FB3]  }
0x2a: {  	p0 =	seq.s32 s5, $0x0;
	s5 =	sld [smem:$0x3FB4]  }
0x2b: {  	s6 =	sld [smem:$0x3FB5]  }
0x2c: {  	s7 =	sld [smem:$0x3FB6]  }
0x2d: {  	s3 =	simm.s32 $0x108;
	s8 =	sld [smem:$0x3FB7]  }
0x2e: {  	s3 =	simm.s32 @!p0 $0x1082;
	s9 =	sld [smem:$0x3FB8]  }
0x2f: {  	lr =	sadd.s32 s0, s3;
	s0 =	sld [smem:$0x3FAF]  }
0x30: {  	s3 =	sld [smem:$0x3FB2]  }
0x31: {  	[smem:$0x3FBB] =	sst s10  }
0x32: {  	s10 =	sld [smem:$0x3FB9];
	_ =	sdelay $0x3  }
0x33: {  	p0 =	seq.s32 s10, $0x1;
	s10 =	sld [smem:$0x3FBB];
	_ =	sdelay $0x3  }
0x34: {  	[smem:$0x3FBB] =	sst s10  }
0x35: {  	s10 =	sld [smem:$0x3FBA];
	_ =	sdelay $0x3  }
0x36: {  	p1 =	seq.s32 s10, $0x1;
	s10 =	sld [smem:$0x3FBB];
	_ =	sdelay $0x3  }
0x37: {  	[smem:$0x3FBB] =	sst s10  }
0x38: {  	s10 =	sld [smem:$0x3FBC]  }
0x39: {  	_ = 	snop;
	(pc) =	sbr.ind lr, $3  }
0x3a: {  	_ = 	snop  }
0x3b: {  	_ = 	snop  }
0x3c: {  	p2 =	seq.s32 s10, $0x1;
	s10 =	sld [smem:$0x3FBB]  }
0x3d: {  	_ =	shalt  }
0x3e: {  	_ =	shalt  }
0x3f: {  	_ =	shalt  }
0x40: {  	_ =	shalt  }
0x41: {  	_ =	shalt  }
0x42: {  	_ =	shalt  }
0x43: {  	_ =	shalt  }
0x44: {  	_ =	shalt  }
0x45: {  	_ =	shalt  }
0x46: {  	_ =	shalt  }
0x47: {  	_ =	shalt  }
0x48: {  	_ =	shalt  }
0x49: {  	_ =	shalt  }
0x4a: {  	_ =	shalt  }
0x4b: {  	_ =	shalt  }
0x4c: {  	_ =	shalt  }
0x4d: {  	_ =	shalt  }
0x4e: {  	_ =	shalt  }
0x4f: {  	_ =	shalt  }
0x50: {  	_ =	shalt  }
0x51: {  	_ =	shalt  }
0x52: {  	_ =	shalt  }
0x53: {  	_ =	shalt  }
0x54: {  	_ =	shalt  }
0x55: {  	_ =	shalt  }
0x56: {  	_ =	shalt  }
0x57: {  	_ =	shalt  }
0x58: {  	_ =	shalt  }
0x59: {  	_ =	shalt  }
0x5a: {  	_ =	shalt  }
0x5b: {  	_ =	shalt  }
0x5c: {  	_ =	shalt  }
0x5d: {  	_ =	shalt  }
0x5e: {  	_ =	shalt  }
0x5f: {  	_ =	shalt  }
0x60: {  	_ =	shalt  }
0x61: {  	_ =	shalt  }
0x62: {  	_ =	shalt  }
0x63: {  	_ =	shalt  }
0x64: {  	_ =	shalt  }
0x65: {  	_ =	shalt  }
0x66: {  	_ =	shalt  }
0x67: {  	_ =	shalt  }
0x68: {  	_ =	shalt  }
0x69: {  	_ =	shalt  }
0x6a: {  	_ =	shalt  }
0x6b: {  	_ =	shalt  }
0x6c: {  	_ =	shalt  }
0x6d: {  	_ =	shalt  }
0x6e: {  	_ =	shalt  }
0x6f: {  	_ =	shalt  }
0x70: {  	_ =	shalt  }
0x71: {  	_ =	shalt  }
0x72: {  	_ =	shalt  }
0x73: {  	_ =	shalt  }
0x74: {  	_ =	shalt  }
0x75: {  	_ =	shalt  }
0x76: {  	_ =	shalt  }
0x77: {  	_ =	shalt  }
0x78: {  	_ =	shalt  }
0x79: {  	_ =	shalt  }
0x7a: {  	_ =	shalt  }
0x7b: {  	_ =	shalt  }
0x7c: {  	_ =	shalt  }
0x7d: {  	_ =	shalt  }
0x7e: {  	_ =	shalt  }
0x7f: {  	_ =	shalt  }
0x80: {  	_ =	shalt  }
0x81: {  	_ =	shalt  }
0x82: {  	_ =	shalt  }
0x83: {  	_ =	shalt  }
0x84: {  	_ =	shalt  }
0x85: {  	_ =	shalt  }
0x86: {  	_ =	shalt  }
0x87: {  	_ =	shalt  }
.Lfunc_end0:
.L_simem_size_0:
called_computation_lowered:
.L_overlay_start_0:
0x88: {  	s2 =	sld [smem:$0x3FD9]  }
0x89: {  	s3 =	sld [smem:$0x3FFE];
	_ =	sdelay $0x1  }
0x8a: {  	s1 =	srdreg.scid  }
0x8b: {  	s0 =	sand.u32 $0x1, s1  }
0x8c: {  	s15 =	sshll.u32 s0, $0xA;
	s2 =	sadd.s32 s3, s2  }
0x8d: {  	s2 =	sadd.s32 s2, s15  }
0x8e: {  	[smem:$0x3FC7] =	sst s2  }
0x8f: {  	_ = 	snop  }
0x90: {  	s2 =	sld [smem:$0x3FD0];
	_ =	sdelay $0x2  }
0x91: {  	s4 =	simm.s32 $0xA;
	s5 =	simm.s32 $0x10;
	s16 =	sld [smem:$0x3FC9]  }
0x92: {  	[smem:s5], [sflag:s4] =	dma.local [hbm:s2], $0x1  }
0x93: {  	_ =	swait.eq [sflag:s4], $0x1  }
0x94: {  	[sflag:s4] =	ssyncset.done $0x0  }
0x95: {  	s17 =	sld [smem:$0x10];
	[sflag:s4] =	ssyncadd.s32 $0xFFFFFFFF  }
0x96: {  	s18 =	sld [smem:$0x11];
	(tm) =	ssettm $0x1  }
0x97: {  	s19 =	sld [smem:$0x3FFB];
	_ =	sdelay $0x3  }
0x98: {  	_ =	strace s19  }
0x99: {  	s5 =	sld [smem:$0x3FFC];
	_ =	sdelay $0x3  }
0x9a: {  	_ =	strace s5  }
0x9b: {  	s5 =	sld [smem:$0x3FFD];
	_ =	sdelay $0x3  }
0x9c: {  	_ =	strace s5  }
0x9d: {  	_ =	strace $0x8FFFFFFF  }
0x9e: {  	s20 =	sld [smem:$0x3FDB];
	_ =	sdelay $0x1  }
0x9f: {  	s6 =	simm.s32 $_scs_section_size  }
0xa0: {  	s7 =	simm.s32 $_size__tile_overlayer_lowered;
	s8 =	simm.s32 $_tile_overlayer_lowered  }
0xa1: {  	s23 =	simm.s32 $0x1BFF;
	s22 =	sshll.u32 s8, $0x1;
	s5 =	sadd.s32 s6, s20  }
0xa2: {  	s9 =	simm.s32 $0x0;
	s21 =	sshll.u32 s7, $0x1;
	s7 =	sadd.s32 s22, s5  }
0xa3: {  	[timem:s9], [sflag:s23] =	dma.local [hbm:s7], s21  }
0xa4: {  	_ =	swait.ge [sflag:s23], s21  }
0xa5: {  	s6 =	ssub.s32 $0x0, s21;
	[sflag:s23] =	ssyncset.done $0x0  }
0xa6: {  	[sflag:s23] =	ssyncadd.s32 s6;
	_ =	sdelay $0x1  }
0xa7: {  	s24 =	simm.s32 $0x1B8B  }
0xa8: {  	_ =	swait.ge [sflag:s24], $0x1  }
0xa9: {  	[sflag:s24] =	ssyncset.done $0x0  }
0xaa: {  	s25 =	simm.s32 $0x1B8E;
	[sflag:s24] =	ssyncadd.s32 $0xFFFFFFFF  }
0xab: {  	s26 =	simm.s32 $execute0_lowered;
	[smem:$0x3FD2] =	sst s25  }
0xac: {  	s6 =	sshll.u32 s26, $0x1;
	_ =	strace $0x80000046;
	[dreg:$0x1] =	wrdreg $0xFFFFFFFF  }
0xad: {  	s28 =	simm.s32 $_size_execute0_lowered;
	s5 =	sadd.s32 s5, s6;
	[dreg:$0x0] =	wrdreg $0x0  }
0xae: {  	s6 =	sshll.u32 s28, $0x1;
	[dreg:$0x2] =	wrdreg s5  }
0xaf: {  	[dreg:$0x3] =	wrdreg s6  }
0xb0: {  	[dreg:$0x4] =	wrdreg $0xC0  }
0xb1: {  	_ =	task [dreg:s9], $0x5FFFF  }
0xb2: {  	[dreg:$0x1] =	wrdreg $0xFFFFFFFF  }
0xb3: {  	[dreg:$0x0] =	wrdreg $0x60  }
0xb4: {  	[dreg:$0x2] =	wrdreg s16  }
0xb5: {  	[dreg:$0x3] =	wrdreg s18  }
0xb6: {  	[dreg:$0x4] =	wrdreg s17  }
0xb7: {  	[dreg:$0x5] =	wrdreg $0x9  }
0xb8: {  	_ =	task.clear_ibuf [dreg:s9], $0x6FFFF;
	_ =	strace $0x90000046  }
0xb9: {  	s29 =	simm.s32 $0x9;
	_ =	strace $0x80000048  }
0xba: {  	_ =	swait.ge [sflag:s29], $0x1  }
0xbb: {  	[sflag:s29] =	ssyncadd.s32 $0xFFFFFFFF  }
0xbc: {  	_ =	strace $0x90000048  }
0xbd: {  	_ =	sfence  }
0xbe: {  	s30 =	sld [smem:$0x0];
	_ =	sdelay $0x2  }
0xbf: {  	s31 =	sshll.u32 s1, $0xD;
	s1 =	sshrl.u32 s1, $0x2  }
0xc0: {  	s3 =	sand.u32 $0x4000, s31;
	s1 =	sadd.s32 s1, s30  }
0xc1: {  	s0 =	sor.u32 s3, s0;
	s1 =	sshll.u32 s1, $0x11  }
0xc2: {  	s0 =	sor.u32 s1, s0  }
0xc3: {  	s0 =	sadd.s32 $0x8F2B, s0  }
0xc4: {  	[sflag:s0] =	ssyncadd.remote.s32 $0x1  }
0xc5: {  	_ =	sfence.sel $0xFFFF  }
0xc6: {  	[dreg:$0x0] =	wrdreg $0xFFFFFFFF;
	(pc) =	sbr.abs _section_cstart, $3  }
0xc7: {  	[dreg:$0x1] =	wrdreg $0xFFFFFFFF  }
0xc8: {  	_ =	task.clear_ibuf [dreg:s9], $0x2FFFF;
	_ =	strace $0x9FFFFFFF  }
0xc9: {  	(tm) =	ssettm $0x7FFFFFFF  }
tec
execute0_lowered:
.L_overlay_start_1:
0x0: {  	(tag) =	ssettag $0x1  }
0x1: {  	s3 =	rddreg [dreg:$0x0]  }
0x2: {  	s5 =	rddreg [dreg:$0x1]  }
0x3: {  	s6 =	rddreg [dreg:$0x2]  }
0x4: {  	s1 =	srdreg.scid;
	v0 =	vimm.s32 $0xEFCDAB89;
	s0 =	rddreg [dreg:$0x3];
	v1 =	vimm.s32 $0x67452301;
	v2 =	vimm.s32 $0xDCFE98BA  }
0x5: {  	s2 =	simm.s32 $0x0;
	v3 =	vimm.s32 $0x54761032;
	v4 =	vimm.s32 $0xBA98FEDC;
	s12 =	simm.s32 $0x2;
	s13 =	simm.s32 $0x10000  }
0x6: {  	v5 =	vimm.s32 $0x32107654;
	v6 =	vimm.s32 $0xFEDCBA98;
	s14 =	simm.s32 $0x3;
	s15 =	simm.s32 $0x10080;
	s16 =	simm.s32 $0x0  }
0x7: {  	v7 =	vimm.s32 $0x76543210;
	vm0 =	vcmask $0x310;
	s4 =	sand.u32 $0x1, s1;
	s1 =	stileid.u32;
	[smem:$0x7FF] =	sst s2  }
0x8: {  	vm1 =	vcmask $0x710;
	v0 =	vunpack.c.l.s4.s8 v0;
	v1 =	vunpack.c.l.s4.s8 v1;
	s7 =	sshll.u32 s4, $0x4;
	_ =	strace $0x80000047;
	s4 =	ssub.s32 $0x2, s4  }
0x9: {  	v2 =	vunpack.c.l.s4.s8 v2;
	v3 =	vunpack.c.l.s4.s8 v3;
	v4 =	vunpack.c.l.s4.s8 v4;
	s10 =	sshll.u32 s1, $0x5;
	s7 =	sor.u32 s1, s7;
	s11 =	sshrl.u32 s4, $0x1  }
0xa: {  	v5 =	vunpack.c.l.s4.s8 v5;
	v6 =	vunpack.c.l.s4.s8 v6;
	v7 =	vunpack.c.l.s4.s8 v7;
	s8 =	sshll.u32 s7, $0x1;
	s9 =	sshll.u32 s7, $0xD;
	s11 =	ssub.s32 s4, s11  }
0xb: {  	v0 =	vunpack.c.0.s8.s32 v0;
	v1 =	vunpack.c.0.s8.s32 v1;
	v2 =	vunpack.c.0.s8.s32 v2;
	s5 =	sadd.s32 s5, s7;
	s6 =	sadd.s32 s6, s7;
	s8 =	sor.u32 $0x41, s8  }
0xc: {  	v3 =	vunpack.c.0.s8.s32 v3;
	v4 =	vunpack.c.0.s8.s32 v4;
	v5 =	vunpack.c.0.s8.s32 v5;
	s9 =	sor.u32 s9, s10;
	s7 =	smax.u32 s11, $0x1;
	s11 =	simm.s32 $0x1  }
0xd: {  	vm2 =	vcmask $0xB10;
	v6 =	vunpack.c.0.s8.s32 v6;
	v1 =	vcombine.low v1, v0;
	s31 =	sshll.u32 s8, $0x4;
	s9 =	sand.u32 $0x38060, s9;
	s8 =	sshll.u32 s8, $0xC  }
0xe: {  	v2 =	vcombine.low v3, v2;
	v3 =	vcombine.low v5, v4;
	v4 =	vunpack.c.0.s8.s32 v7;
	s10 =	sand.u32 $0x70, s31;
	s9 =	sadd.s32 s9, s3;
	s8 =	sand.u32 $0x78000, s8  }
0xf: {  	v0 =	vlaneseq.u32;
	v5 =	vand.u32 $0xF, v6;
	v1 =	vand.u32 $0xF, v1;
	s10 =	sadd.s32 s3, s10;
	s3 =	sadd.s32 $0x40000, s9;
	s9 =	simm.s32 $0x400  }
0x10: {  	v2 =	vand.u32 $0xF, v2;
	v3 =	vand.u32 $0xF, v3;
	v4 =	vcombine.low v5, v4;
	s4 =	sadd.s32 s8, s10;
	s8 =	simm.s32 $0x80;
	s10 =	simm.s32 $0x8000  }
.LBB2_1:
0x11: {  	[tilespmem:s2], [sflag:$0x1] =	stream.strided.gather [hbm4b:s3+s8], $0x8000, s9, s8, $0x38;
	[tilespmem:$0x10100] =	vst v63  }
0x12: {  	_ = 	snop  }
0x13: {  	[tilespmem:s10], [sflag:$0x2] =	stream.strided.gather [hbm4b:s4+s8], $0x8000, s9, s8, $0x38;
	[tilespmem:$0x10100] =	vst v63  }
0x14: {  	_ =	swait.ge [sflag:s11], $0x8000  }
0x15: {  	[sflag:s11] =	ssyncset.done $0x0  }
0x16: {  	s17 =	simm.s32 $0x40;
	[sflag:s11] =	ssyncadd.s32 $0xFFFF8000  }
0x17: {  	v6 =	vld [tilespmem:s17+$0xFFFFFFC0]  }
0x18: {  	v7 =	vld [tilespmem:s17+$0xFFFFFFF0]  }
0x19: {  	v8 =	vld [tilespmem:s17+$0xFFFFFFD0]  }
0x1a: {  	v13 =	vmov s2;
	v23 =	vld [tilespmem:s17+$0xFFFFFFE0]  }
0x1b: {  	v9 =	vimm.f32 $-Inf;
	v11 =	vimm.s32 $0x0;
	v10 =	vor.u32 $0x7, v13  }
0x1c: {  	v12 =	vor.u32 $0x3, v13;
	v19 =	vor.u32 $0x6, v13;
	v20 =	vor.u32 $0x1, v13  }
0x1d: {  	v15 =	vor.u32 $0x4, v13;
	v37 =	vor.u32 $0x5, v13;
	v13 =	vor.u32 $0x2, v13  }
0x1e: {  	vm3 =	vgt.f32 v6, v9;
	vm5 =	vgt.f32 v7, v9;
	vm4 =	vgt.f32 v8, v9  }
0x1f: {  	vm12 =	vgt.f32 v23, v9;
	v14 =	vsel vm3, v9, v6;
	v5 =	vsel vm5, v7, v9  }
0x20: {  	v16 =	vsel vm5, v9, v7;
	v17 =	vsel vm5, v11, v12;
	v18 =	vnsel vm3, s2, v11  }
0x21: {  	v30 =	vld [tilespmem:s17+$0x10];
	v21 =	vsel vm5, v12, v11;
	v12 =	vsel vm3, s2, v11;
	v28 =	vsel vm3, v6, v9  }
0x22: {  	v29 =	vsel vm4, v20, v11;
	v26 =	vsel vm4, v9, v8;
	v36 =	vsel vm4, v8, v9  }
0x23: {  	v33 =	vld [tilespmem:s17+$0x0];
	v8 =	vsel vm4, v11, v20;
	v20 =	vsel vm12, v11, v13;
	v13 =	vsel vm12, v13, v11  }
0x24: {  	v7 =	vld [tilespmem:s17+$0x30];
	vm6 =	veq.f32 v14, v9;
	vm5 =	vlt.s32 v17, v11;
	vm9 =	veq.f32 v16, v9  }
0x25: {  	vm7 =	vlt.s32 v18, v11;
	vm3 =	vgt.f32 v16, v9;
	vm5 =	vmand vm9, vm5  }
0x26: {  	vm8 =	vgt.f32 v14, v9;
	vm10 =	vgt.f32 v30, v36;
	vm5 =	vmor vm3, vm5  }
0x27: {  	vm6 =	vmand vm6, vm7;
	v24 =	vsel vm10, v29, v37;
	v31 =	vsel vm5, v16, v9  }
0x28: {  	v32 =	vsel vm5, v17, v11;
	vm5 =	vmor vm8, vm6;
	vm8 =	veq.f32 v26, v9  }
0x29: {  	v16 =	vsel vm12, v9, v23;
	vm6 =	vgt.f32 v33, v28;
	vm3 =	vgt.f32 v7, v5  }
0x2a: {  	v14 =	vsel vm5, v14, v9;
	vm4 =	veq.f32 v16, v9;
	v17 =	vsel vm6, v28, v33  }
0x2b: {  	vm13 =	vgt.f32 v16, v9;
	v6 =	vsel vm3, v10, v21;
	v34 =	vsel vm3, v5, v7  }
0x2c: {  	v35 =	vsel vm3, v21, v10;
	v10 =	vsel vm5, v18, v11;
	vm5 =	vlt.s32 v20, v11  }
0x2d: {  	v38 =	vld [tilespmem:s17+$0x20];
	v18 =	vsel vm6, v12, v15;
	vm7 =	vgt.f32 v34, v31;
	vm4 =	vmand vm4, vm5  }
0x2e: {  	vm9 =	veq.f32 v34, v31;
	vm11 =	vlt.s32 v35, v32;
	vm5 =	vmor vm13, vm4  }
0x2f: {  	vm4 =	veq.f32 v17, v14;
	vm13 =	vlt.s32 v8, v11;
	vm9 =	vmand vm9, vm11  }
0x30: {  	v21 =	vsel vm5, v16, v9;
	v22 =	vsel vm5, v20, v11;
	vm5 =	vgt.f32 v17, v14  }
0x31: {  	v20 =	vsel vm12, v23, v9;
	vm12 =	vgt.f32 v26, v9;
	vm8 =	vmand vm8, vm13  }
0x32: {  	v16 =	vsel vm10, v30, v36;
	vm11 =	vmor vm7, vm9;
	vm13 =	vgt.f32 v38, v20  }
0x33: {  	vm7 =	vlt.s32 v18, v10;
	vm8 =	vmor vm12, vm8;
	v23 =	vsel vm13, v20, v38  }
0x34: {  	v25 =	vsel vm13, v13, v19;
	v26 =	vsel vm8, v26, v9;
	v27 =	vsel vm8, v8, v11  }
0x35: {  	v8 =	vsel vm13, v19, v13;
	v9 =	vsel vm13, v38, v20;
	v20 =	vsel vm6, v33, v28  }
0x36: {  	v28 =	vsel vm10, v36, v30;
	v19 =	vsel vm10, v37, v29;
	v11 =	vsel vm11, v34, v31  }
0x37: {  	v13 =	vsel vm11, v35, v32;
	vm12 =	veq.f32 v23, v21;
	vm14 =	vlt.s32 v25, v22  }
0x38: {  	s18 =	simm.s32 $0xC0;
	s17 =	simm.s32 $0x8;
	vm10 =	vlt.s32 v24, v27;
	vm9 =	vgt.f32 v23, v21;
	vm8 =	vmand vm12, vm14  }
.LBB2_2:
0x39: {  	v29 =	vld [tilespmem:s18+$0xFFFFFFC0];
	p0 =	sne.s32 s17, $0x7F8;
	vm11 =	vgt.f32 v28, v26;
	vm12 =	veq.f32 v28, v26;
	vm8 =	vmor vm9, vm8;
	s19 =	smov.u32 s17;
	s17 =	sadd.s32 $0x8, s17  }
0x3a: {  	vm4 =	vmand vm4, vm7;
	v30 =	vld [tilespmem:s18+$0xFFFFFFF0];
	vm7 =	vmand vm12, vm10;
	v22 =	vsel vm8, v25, v22  }
0x3b: {  	vm4 =	vmor vm5, vm4;
	v21 =	vsel vm8, v23, v21;
	v25 =	vld [tilespmem:s18+$0xFFFFFFD0];
	vm5 =	vmor vm11, vm7  }
0x3c: {  	v14 =	vsel vm4, v17, v14;
	v31 =	vld [tilespmem:s18+$0x0];
	v26 =	vsel vm5, v28, v26;
	v27 =	vsel vm5, v24, v27  }
0x3d: {  	v12 =	vsel vm6, v15, v12;
	v7 =	vsel vm3, v7, v5;
	v10 =	vsel vm4, v18, v10  }
0x3e: {  	v17 =	vmov s19;
	vm3 =	vgt.f32 v29, v20  }
0x3f: {  	v23 =	vor.u32 $0x7, v17;
	v18 =	vsel vm3, v20, v29;
	vm5 =	vgt.f32 v30, v7  }
0x40: {  	v15 =	vor.u32 $0x3, v17;
	vm4 =	vgt.f32 v25, v16;
	v5 =	vsel vm5, v30, v7  }
0x41: {  	v24 =	vsel vm5, v7, v30;
	v28 =	vsel vm5, v6, v15;
	v30 =	vor.u32 $0x6, v17;
	v7 =	vld [tilespmem:s18+$0x30]  }
0x42: {  	v33 =	vor.u32 $0x1, v17;
	v32 =	vnsel vm3, s19, v12;
	vm6 =	veq.f32 v18, v14  }
0x43: {  	vm7 =	vlt.s32 v32, v10;
	v34 =	vsel vm5, v15, v6;
	vm5 =	vlt.s32 v28, v13  }
0x44: {  	v12 =	vsel vm3, s19, v12;
	vm8 =	vgt.f32 v18, v14;
	vm9 =	veq.f32 v24, v11  }
0x45: {  	v20 =	vsel vm3, v29, v20;
	v15 =	vor.u32 $0x4, v17;
	vm3 =	vgt.f32 v24, v11  }
0x46: {  	vm6 =	vmand vm6, vm7;
	v29 =	vsel vm4, v33, v19;
	vm5 =	vmand vm9, vm5  }
0x47: {  	v35 =	vsel vm4, v16, v25;
	vm5 =	vmor vm3, vm5;
	vm3 =	vgt.f32 v7, v5;
	v36 =	vld [tilespmem:s18+$0x10]  }
0x48: {  	v11 =	vsel vm5, v24, v11;
	v13 =	vsel vm5, v28, v13;
	v6 =	vsel vm3, v23, v34;
	v37 =	vld [tilespmem:s18+$0xFFFFFFE0]  }
0x49: {  	vm5 =	vmor vm8, vm6;
	v38 =	vsel vm3, v5, v7;
	v34 =	vsel vm3, v34, v23  }
0x4a: {  	v10 =	vsel vm5, v32, v10;
	vm7 =	vgt.f32 v38, v11;
	vm9 =	veq.f32 v38, v11  }
0x4b: {  	v28 =	vsel vm4, v25, v16;
	vm8 =	veq.f32 v35, v26;
	v14 =	vsel vm5, v18, v14  }
0x4c: {  	v16 =	vsel vm4, v19, v33;
	v19 =	vor.u32 $0x5, v17;
	vm10 =	vgt.f32 v36, v28  }
0x4d: {  	v23 =	vor.u32 $0x2, v17;
	vm11 =	vlt.s32 v34, v13;
	vm12 =	vgt.f32 v37, v9  }
0x4e: {  	vm6 =	vgt.f32 v31, v20;
	v24 =	vsel vm12, v9, v37;
	v25 =	vsel vm12, v8, v23  }
0x4f: {  	v17 =	vsel vm6, v20, v31;
	vm4 =	veq.f32 v24, v21;
	vm5 =	vlt.s32 v25, v22;
	v32 =	vld [tilespmem:s18+$0x20]  }
0x50: {  	v18 =	vsel vm6, v12, v15;
	vm13 =	vgt.f32 v24, v21;
	vm4 =	vmand vm4, vm5  }
0x51: {  	v8 =	vsel vm12, v23, v8;
	vm5 =	vmor vm13, vm4;
	vm4 =	veq.f32 v17, v14  }
0x52: {  	v21 =	vsel vm5, v24, v21;
	v22 =	vsel vm5, v25, v22;
	vm5 =	vgt.f32 v17, v14  }
0x53: {  	v9 =	vsel vm12, v37, v9;
	vm13 =	vlt.s32 v16, v27;
	v24 =	vsel vm10, v29, v19  }
0x54: {  	vm12 =	vgt.f32 v35, v26;
	vm8 =	vmand vm8, vm13;
	vm13 =	vgt.f32 v32, v9  }
0x55: {  	vm8 =	vmor vm12, vm8;
	v23 =	vsel vm13, v9, v32;
	v25 =	vsel vm13, v8, v30  }
0x56: {  	v26 =	vsel vm8, v35, v26;
	vm12 =	veq.f32 v23, v21;
	vm14 =	vlt.s32 v25, v22  }
.Ltmp0:
0x57: {  	v27 =	vsel vm8, v16, v27;
	v8 =	vsel vm13, v30, v8;
	vm8 =	vmand vm12, vm14;
	(pc) =	sbr.rel @p0 .LBB2_2-.Ltmp0, $4  }
0x58: {  	vm9 =	vmand vm9, vm11;
	v16 =	vsel vm10, v36, v28;
	v9 =	vsel vm13, v32, v9  }
0x59: {  	v20 =	vsel vm6, v31, v20;
	vm11 =	vmor vm7, vm9;
	v28 =	vsel vm10, v28, v36  }
0x5a: {  	vm7 =	vlt.s32 v18, v10;
	v11 =	vsel vm11, v38, v11;
	v19 =	vsel vm10, v19, v29  }
0x5b: {  	v13 =	vsel vm11, v34, v13;
	s18 =	sadd.s32 $0x80, s18;
	vm10 =	vlt.s32 v24, v27;
	vm9 =	vgt.f32 v23, v21  }
0x5c: {  	vm11 =	vgt.f32 v28, v26;
	vm12 =	veq.f32 v28, v26;
	v12 =	vsel vm6, v15, v12  }
0x5d: {  	vm6 =	vmand vm12, vm10;
	vm10 =	veq.f32 v16, v20;
	vm12 =	vlt.s32 v19, v12  }
0x5e: {  	vm6 =	vmor vm11, vm6;
	vm11 =	vgt.f32 v16, v20;
	vm10 =	vmand vm10, vm12  }
0x5f: {  	v15 =	vsel vm6, v28, v26;
	vm11 =	vmor vm11, vm10  }
0x60: {  	v24 =	vsel vm6, v24, v27;
	v26 =	vsel vm11, v16, v20;
	v27 =	vsel vm11, v19, v12  }
0x61: {  	vm6 =	veq.f32 v15, v26;
	vm10 =	vlt.s32 v24, v27  }
0x62: {  	vm12 =	vgt.f32 v15, v26;
	vm6 =	vmand vm6, vm10  }
0x63: {  	vm10 =	vmor vm12, vm6  }
0x64: {  	v28 =	vsel vm10, v15, v26;
	v29 =	vsel vm10, v24, v27  }
0x65: {  	vm6 =	veq.f32 v9, v28;
	vm12 =	vlt.s32 v8, v29  }
0x66: {  	vm8 =	vmor vm9, vm8;
	vm9 =	vgt.f32 v9, v28;
	vm6 =	vmand vm6, vm12  }
0x67: {  	v22 =	vsel vm8, v25, v22;
	vm9 =	vmor vm9, vm6  }
0x68: {  	v21 =	vsel vm8, v23, v21;
	v23 =	vsel vm9, v9, v28;
	v25 =	vsel vm9, v8, v29  }
0x69: {  	vm6 =	veq.f32 v21, v23;
	vm8 =	vlt.s32 v22, v25  }
0x6a: {  	vm12 =	vgt.f32 v21, v23;
	vm6 =	vmand vm6, vm8  }
0x6b: {  	vm8 =	vmor vm12, vm6  }
0x6c: {  	v7 =	vsel vm3, v7, v5;
	v30 =	vsel vm8, v21, v23;
	v31 =	vsel vm8, v22, v25  }
0x6d: {  	vm3 =	veq.f32 v7, v30;
	vm6 =	vlt.s32 v6, v31  }
0x6e: {  	vm12 =	vgt.f32 v7, v30;
	vm3 =	vmand vm3, vm6  }
0x6f: {  	vm6 =	vmor vm12, vm3  }
0x70: {  	v32 =	vsel vm6, v7, v30;
	v33 =	vsel vm6, v6, v31  }
0x71: {  	vm3 =	veq.f32 v11, v32;
	vm12 =	vlt.s32 v13, v33  }
0x72: {  	vm13 =	vgt.f32 v11, v32;
	vm3 =	vmand vm3, vm12  }
0x73: {  	vm4 =	vmand vm4, vm7;
	vm3 =	vmor vm13, vm3  }
0x74: {  	vm4 =	vmor vm5, vm4;
	v34 =	vsel vm3, v11, v32  }
0x75: {  	v5 =	vsel vm4, v17, v14;
	v14 =	vperm.xlane v34, v1  }
0x76: {  	v10 =	vsel vm4, v18, v10;
	v16 =	vsel vm11, v20, v16;
	v12 =	vsel vm11, v12, v19  }
0x77: {  	vm4 =	veq.f32 v16, v5;
	vm5 =	vlt.s32 v12, v10;
	v14 =	vmax.f32 v34, v14  }
0x78: {  	vm7 =	vgt.f32 v16, v5;
	vm4 =	vmand vm4, vm5;
	v17 =	vperm.xlane v14, v2  }
0x79: {  	vm4 =	vmor vm7, vm4  }
0x7a: {  	v5 =	vsel vm4, v16, v5;
	v10 =	vsel vm4, v12, v10;
	v12 =	vmax.f32 v14, v17  }
0x7b: {  	v14 =	vsel vm10, v26, v15;
	v15 =	vsel vm10, v27, v24;
	v16 =	vperm.xlane v12, v3  }
0x7c: {  	vm4 =	veq.f32 v14, v5;
	vm5 =	vlt.s32 v15, v10  }
0x7d: {  	vm7 =	vgt.f32 v14, v5;
	vm4 =	vmand vm4, vm5;
	v12 =	vmax.f32 v12, v16  }
0x7e: {  	vm4 =	vmor vm7, vm4;
	v16 =	vperm.xlane v12, v4  }
0x7f: {  	v9 =	vsel vm9, v28, v9;
	v14 =	vsel vm4, v14, v5;
	v5 =	vsel vm3, v13, v33  }
0x80: {  	v10 =	vsel vm4, v15, v10;
	v15 =	vshll.u32 v5, $0x4;
	v5 =	vmax.f32 v12, v16  }
0x81: {  	v8 =	vsel vm9, v29, v8;
	v12 =	vor.u32 v0, v15;
	vm4 =	veq.f32 v34, v5  }
0x82: {  	vm5 =	veq.f32 v9, v14;
	vm7 =	vlt.s32 v8, v10;
	v15 =	vnsel vm4, $0x40000000, v12  }
0x83: {  	vm9 =	vgt.f32 v9, v14;
	vm5 =	vmand vm5, vm7;
	v16 =	vperm.xlane v15, v1  }
0x84: {  	vm5 =	vmor vm9, vm5  }
0x85: {  	v9 =	vsel vm5, v9, v14;
	v8 =	vsel vm5, v8, v10;
	vm5 =	vlt.s32 v15, v16  }
0x86: {  	v10 =	vsel vm8, v23, v21;
	v14 =	vsel vm8, v25, v22;
	v15 =	vsel vm5, v15, v16  }
0x87: {  	vm7 =	vlt.s32 v14, v8;
	vm5 =	veq.f32 v10, v9;
	v16 =	vperm.xlane v15, v2  }
0x88: {  	vm8 =	vgt.f32 v10, v9;
	vm5 =	vmand vm5, vm7  }
0x89: {  	vm5 =	vmor vm8, vm5;
	vm7 =	vlt.s32 v15, v16  }
0x8a: {  	v7 =	vsel vm6, v30, v7;
	v9 =	vsel vm5, v10, v9;
	v10 =	vsel vm7, v15, v16  }
0x8b: {  	v6 =	vsel vm6, v31, v6;
	v8 =	vsel vm5, v14, v8;
	v14 =	vperm.xlane v10, v3  }
0x8c: {  	vm5 =	veq.f32 v7, v9;
	vm6 =	vlt.s32 v6, v8  }
0x8d: {  	vm7 =	vgt.f32 v7, v9;
	vm5 =	vmand vm5, vm6;
	vm6 =	vlt.s32 v10, v14  }
0x8e: {  	vm5 =	vmor vm7, vm5;
	v10 =	vsel vm6, v10, v14  }
0x8f: {  	v7 =	vsel vm5, v7, v9;
	v9 =	vperm.xlane v10, v4  }
0x90: {  	v11 =	vsel vm3, v32, v11;
	v13 =	vsel vm3, v33, v13;
	v8 =	vsel vm5, v6, v8  }
0x91: {  	vm3 =	veq.f32 v11, v7;
	vm5 =	vlt.s32 v13, v8;
	vm6 =	vlt.s32 v10, v9  }
0x92: {  	vm7 =	vgt.f32 v11, v7;
	vm3 =	vmand vm3, vm5;
	v6 =	vsel vm6, v10, v9  }
0x93: {  	vm3 =	vmor vm7, vm3;
	vm5 =	veq.s32 v12, v6  }
0x94: {  	v7 =	vsel vm3, v11, v7;
	vm4 =	vmand vm4, vm5  }
0x95: {  	v9 =	vsel vm4, v7, v34  }
0x96: {  	v7 =	vperm.xlane v9, v1;
	_ =	sdelay $0x1  }
0x97: {  	v7 =	vmax.f32 v9, v7  }
0x98: {  	v10 =	vperm.xlane v7, v2;
	_ =	sdelay $0x1  }
0x99: {  	v7 =	vmax.f32 v7, v10  }
0x9a: {  	v10 =	vperm.xlane v7, v3;
	_ =	sdelay $0x1  }
0x9b: {  	v7 =	vmax.f32 v7, v10  }
0x9c: {  	_ =	swait.ge [sflag:s12], $0x8000;
	v8 =	vsel vm3, v13, v8;
	v10 =	vperm.xlane v7, v4  }
0x9d: {  	[sflag:s12] =	ssyncset.done $0x0;
	v8 =	vshll.u32 v8, $0x4  }
0x9e: {  	s17 =	simm.s32 $0x8040;
	s18 =	simm.s32 $0x0;
	[sflag:s12] =	ssyncadd.s32 $0xFFFF8000;
	v8 =	vor.u32 v0, v8;
	v7 =	vmax.f32 v7, v10  }
0x9f: {  	v18 =	vmov s18;
	v13 =	vld [tilespmem:s17+$0xFFFFFFD0];
	v8 =	vsel vm4, v8, v12;
	vm3 =	veq.f32 v9, v7  }
0xa0: {  	v42 =	vor.u32 $0x5, v18;
	v28 =	vld [tilespmem:s17+$0xFFFFFFE0];
	v8 =	vnsel vm3, $0x40000000, v8  }
0xa1: {  	v20 =	vor.u32 $0x4, v18;
	v17 =	vor.u32 $0x3, v18;
	v9 =	vperm.xlane v8, v1  }
0xa2: {  	v35 =	vld [tilespmem:s17+$0x10];
	v24 =	vor.u32 $0x6, v18;
	v25 =	vor.u32 $0x1, v18;
	v16 =	vimm.s32 $0x0  }
0xa3: {  	v15 =	vor.u32 $0x7, v18;
	v14 =	vimm.f32 $-Inf;
	vm3 =	vlt.s32 v8, v9  }
0xa4: {  	v18 =	vor.u32 $0x2, v18;
	v12 =	vld [tilespmem:s17+$0xFFFFFFF0];
	vm4 =	vgt.f32 v13, v14;
	v8 =	vsel vm3, v8, v9  }
0xa5: {  	vm12 =	vgt.f32 v28, v14;
	v63 =	vsel vm4, v25, v16;
	v9 =	vperm.xlane v8, v2  }
0xa6: {  	v31 =	vsel vm4, v14, v13;
	v41 =	vsel vm4, v13, v14;
	v13 =	vsel vm4, v16, v25  }
0xa7: {  	v25 =	vsel vm12, v16, v18;
	vm10 =	vgt.f32 v35, v41;
	v10 =	vld [tilespmem:s17+$0xFFFFFFC0];
	vm3 =	vlt.s32 v8, v9  }
0xa8: {  	v18 =	vsel vm12, v18, v16;
	v29 =	vsel vm10, v63, v42;
	v8 =	vsel vm3, v8, v9  }
0xa9: {  	v33 =	vsel vm10, v41, v35;
	vm5 =	vgt.f32 v12, v14;
	v9 =	vperm.xlane v8, v3  }
0xaa: {  	v11 =	vsel vm5, v12, v14;
	v21 =	vsel vm5, v14, v12;
	v22 =	vsel vm5, v16, v17  }
0xab: {  	v12 =	vld [tilespmem:s17+$0x30];
	v26 =	vsel vm5, v17, v16;
	vm5 =	vlt.s32 v22, v16;
	vm3 =	vlt.s32 v8, v9  }
0xac: {  	vm9 =	veq.f32 v21, v14;
	v8 =	vsel vm3, v8, v9;
	vm3 =	vgt.f32 v10, v14  }
0xad: {  	vm5 =	vmand vm9, vm5;
	v9 =	vperm.xlane v8, v4;
	v19 =	vsel vm3, v14, v10  }
0xae: {  	v23 =	vnsel vm3, s18, v16;
	v17 =	vsel vm3, s18, v16;
	v62 =	vsel vm3, v10, v14  }
0xaf: {  	vm3 =	vgt.f32 v21, v14;
	vm6 =	veq.f32 v19, v14;
	vm7 =	vlt.s32 v23, v16  }
0xb0: {  	v38 =	vld [tilespmem:s17+$0x0];
	vm8 =	vgt.f32 v19, v14;
	vm5 =	vmor vm3, vm5;
	vm3 =	vgt.f32 v12, v11  }
0xb1: {  	vm6 =	vmand vm6, vm7;
	v36 =	vsel vm5, v21, v14;
	v37 =	vsel vm5, v22, v16  }
0xb2: {  	v10 =	vsel vm3, v15, v26;
	v39 =	vsel vm3, v11, v12;
	v40 =	vsel vm3, v26, v15  }
0xb3: {  	v21 =	vsel vm12, v14, v28;
	vm5 =	vmor vm8, vm6;
	vm7 =	vgt.f32 v39, v36  }
0xb4: {  	vm9 =	veq.f32 v39, v36;
	vm8 =	veq.f32 v31, v14;
	vm11 =	vlt.s32 v40, v37  }
0xb5: {  	vm6 =	vgt.f32 v38, v62;
	vm4 =	veq.f32 v21, v14;
	vm13 =	vgt.f32 v21, v14  }
0xb6: {  	v15 =	vsel vm5, v23, v16;
	v19 =	vsel vm5, v19, v14;
	vm5 =	vlt.s32 v25, v16  }
0xb7: {  	v43 =	vld [tilespmem:s17+$0x20];
	v22 =	vsel vm6, v62, v38;
	v23 =	vsel vm6, v17, v20;
	vm9 =	vmand vm9, vm11  }
0xb8: {  	vm4 =	vmand vm4, vm5;
	vm11 =	vmor vm7, vm9;
	vm7 =	vlt.s32 v23, v15  }
0xb9: {  	vm5 =	vmor vm13, vm4;
	vm4 =	veq.f32 v22, v19;
	vm13 =	vlt.s32 v13, v16  }
0xba: {  	v26 =	vsel vm5, v21, v14;
	v27 =	vsel vm5, v25, v16;
	vm5 =	vgt.f32 v22, v19  }
0xbb: {  	v25 =	vsel vm12, v28, v14;
	vm12 =	vgt.f32 v31, v14;
	vm8 =	vmand vm8, vm13  }
0xbc: {  	v21 =	vsel vm10, v35, v41;
	vm13 =	vgt.f32 v43, v25;
	vm8 =	vmor vm12, vm8  }
0xbd: {  	v28 =	vsel vm13, v25, v43;
	v30 =	vsel vm13, v18, v24;
	v31 =	vsel vm8, v31, v14  }
0xbe: {  	v32 =	vsel vm8, v13, v16;
	v13 =	vsel vm13, v24, v18;
	v14 =	vsel vm13, v43, v25  }
0xbf: {  	v25 =	vsel vm6, v38, v62;
	v24 =	vsel vm10, v42, v63;
	v16 =	vsel vm11, v39, v36  }
0xc0: {  	v18 =	vsel vm11, v40, v37;
	vm12 =	veq.f32 v28, v26;
	vm14 =	vlt.s32 v30, v27  }
0xc1: {  	s17 =	simm.s32 $0x8;
	s18 =	simm.s32 $0x80C0;
	vm10 =	vlt.s32 v29, v32;
	vm9 =	vgt.f32 v28, v26;
	vm8 =	vmand vm12, vm14  }
.LBB2_4:
0xc2: {  	v34 =	vld [tilespmem:s18+$0xFFFFFFC0];
	p0 =	sne.s32 s17, $0x7F8;
	vm11 =	vgt.f32 v33, v31;
	vm12 =	veq.f32 v33, v31;
	vm8 =	vmor vm9, vm8;
	s19 =	smov.u32 s17;
	s17 =	sadd.s32 $0x8, s17  }
0xc3: {  	vm4 =	vmand vm4, vm7;
	v35 =	vld [tilespmem:s18+$0xFFFFFFF0];
	vm7 =	vmand vm12, vm10;
	v27 =	vsel vm8, v30, v27  }
0xc4: {  	vm4 =	vmor vm5, vm4;
	v26 =	vsel vm8, v28, v26;
	v30 =	vld [tilespmem:s18+$0xFFFFFFD0];
	vm5 =	vmor vm11, vm7  }
0xc5: {  	v19 =	vsel vm4, v22, v19;
	v36 =	vld [tilespmem:s18+$0x0];
	v31 =	vsel vm5, v33, v31;
	v32 =	vsel vm5, v29, v32  }
0xc6: {  	v17 =	vsel vm6, v20, v17;
	v12 =	vsel vm3, v12, v11;
	v15 =	vsel vm4, v23, v15  }
0xc7: {  	v22 =	vmov s19;
	vm3 =	vgt.f32 v34, v25  }
0xc8: {  	v28 =	vor.u32 $0x7, v22;
	v23 =	vsel vm3, v25, v34;
	vm5 =	vgt.f32 v35, v12  }
0xc9: {  	v20 =	vor.u32 $0x3, v22;
	vm4 =	vgt.f32 v30, v21;
	v11 =	vsel vm5, v35, v12  }
0xca: {  	v29 =	vsel vm5, v12, v35;
	v33 =	vsel vm5, v10, v20;
	v35 =	vor.u32 $0x6, v22;
	v12 =	vld [tilespmem:s18+$0x30]  }
0xcb: {  	v38 =	vor.u32 $0x1, v22;
	v37 =	vnsel vm3, s19, v17;
	vm6 =	veq.f32 v23, v19  }
0xcc: {  	vm7 =	vlt.s32 v37, v15;
	v39 =	vsel vm5, v20, v10;
	vm5 =	vlt.s32 v33, v18  }
0xcd: {  	v17 =	vsel vm3, s19, v17;
	vm8 =	vgt.f32 v23, v19;
	vm9 =	veq.f32 v29, v16  }
0xce: {  	v25 =	vsel vm3, v34, v25;
	v20 =	vor.u32 $0x4, v22;
	vm3 =	vgt.f32 v29, v16  }
0xcf: {  	vm6 =	vmand vm6, vm7;
	v34 =	vsel vm4, v38, v24;
	vm5 =	vmand vm9, vm5  }
0xd0: {  	v40 =	vsel vm4, v21, v30;
	vm5 =	vmor vm3, vm5;
	vm3 =	vgt.f32 v12, v11;
	v41 =	vld [tilespmem:s18+$0x10]  }
0xd1: {  	v16 =	vsel vm5, v29, v16;
	v18 =	vsel vm5, v33, v18;
	v10 =	vsel vm3, v28, v39;
	v42 =	vld [tilespmem:s18+$0xFFFFFFE0]  }
0xd2: {  	vm5 =	vmor vm8, vm6;
	v43 =	vsel vm3, v11, v12;
	v39 =	vsel vm3, v39, v28  }
0xd3: {  	v15 =	vsel vm5, v37, v15;
	vm7 =	vgt.f32 v43, v16;
	vm9 =	veq.f32 v43, v16  }
0xd4: {  	v33 =	vsel vm4, v30, v21;
	vm8 =	veq.f32 v40, v31;
	v19 =	vsel vm5, v23, v19  }
0xd5: {  	v21 =	vsel vm4, v24, v38;
	v24 =	vor.u32 $0x5, v22;
	vm10 =	vgt.f32 v41, v33  }
0xd6: {  	v28 =	vor.u32 $0x2, v22;
	vm11 =	vlt.s32 v39, v18;
	vm12 =	vgt.f32 v42, v14  }
0xd7: {  	vm6 =	vgt.f32 v36, v25;
	v29 =	vsel vm12, v14, v42;
	v30 =	vsel vm12, v13, v28  }
0xd8: {  	v22 =	vsel vm6, v25, v36;
	vm4 =	veq.f32 v29, v26;
	vm5 =	vlt.s32 v30, v27;
	v37 =	vld [tilespmem:s18+$0x20]  }
0xd9: {  	v23 =	vsel vm6, v17, v20;
	vm13 =	vgt.f32 v29, v26;
	vm4 =	vmand vm4, vm5  }
0xda: {  	v13 =	vsel vm12, v28, v13;
	vm5 =	vmor vm13, vm4;
	vm4 =	veq.f32 v22, v19  }
0xdb: {  	v26 =	vsel vm5, v29, v26;
	v27 =	vsel vm5, v30, v27;
	vm5 =	vgt.f32 v22, v19  }
0xdc: {  	v14 =	vsel vm12, v42, v14;
	vm13 =	vlt.s32 v21, v32;
	v29 =	vsel vm10, v34, v24  }
0xdd: {  	vm12 =	vgt.f32 v40, v31;
	vm8 =	vmand vm8, vm13;
	vm13 =	vgt.f32 v37, v14  }
0xde: {  	vm8 =	vmor vm12, vm8;
	v28 =	vsel vm13, v14, v37;
	v30 =	vsel vm13, v13, v35  }
0xdf: {  	v31 =	vsel vm8, v40, v31;
	vm12 =	veq.f32 v28, v26;
	vm14 =	vlt.s32 v30, v27  }
.Ltmp1:
0xe0: {  	v32 =	vsel vm8, v21, v32;
	v13 =	vsel vm13, v35, v13;
	vm8 =	vmand vm12, vm14;
	(pc) =	sbr.rel @p0 .LBB2_4-.Ltmp1, $4  }
0xe1: {  	vm9 =	vmand vm9, vm11;
	v21 =	vsel vm10, v41, v33;
	v14 =	vsel vm13, v37, v14  }
0xe2: {  	v25 =	vsel vm6, v36, v25;
	vm11 =	vmor vm7, vm9;
	v33 =	vsel vm10, v33, v41  }
0xe3: {  	vm7 =	vlt.s32 v23, v15;
	v16 =	vsel vm11, v43, v16;
	v24 =	vsel vm10, v24, v34  }
0xe4: {  	v18 =	vsel vm11, v39, v18;
	s18 =	sadd.s32 $0x80, s18;
	vm10 =	vlt.s32 v29, v32;
	vm9 =	vgt.f32 v28, v26  }
0xe5: {  	vm11 =	vgt.f32 v33, v31;
	vm12 =	veq.f32 v33, v31;
	v17 =	vsel vm6, v20, v17  }
0xe6: {  	vm6 =	vmand vm12, vm10;
	vm10 =	veq.f32 v21, v25;
	vm12 =	vlt.s32 v24, v17  }
0xe7: {  	vm14 =	vgt.f32 v21, v25;
	vm6 =	vmor vm11, vm6;
	vm10 =	vmand vm10, vm12  }
0xe8: {  	v61 =	vsel vm6, v33, v31;
	vm11 =	vmor vm14, vm10  }
0xe9: {  	v29 =	vsel vm6, v29, v32;
	v62 =	vsel vm11, v21, v25;
	v63 =	vsel vm11, v24, v17  }
0xea: {  	vm6 =	veq.f32 v61, v62;
	vm10 =	vlt.s32 v29, v63  }
0xeb: {  	vm12 =	vgt.f32 v61, v62;
	vm6 =	vmand vm6, vm10  }
0xec: {  	vm10 =	vmor vm12, vm6  }
0xed: {  	v33 =	vsel vm10, v61, v62;
	v34 =	vsel vm10, v29, v63  }
0xee: {  	vm6 =	veq.f32 v14, v33;
	vm12 =	vlt.s32 v13, v34  }
0xef: {  	vm8 =	vmor vm9, vm8;
	vm15 =	vgt.f32 v14, v33;
	vm6 =	vmand vm6, vm12  }
0xf0: {  	v27 =	vsel vm8, v30, v27;
	vm9 =	vmor vm15, vm6  }
0xf1: {  	v26 =	vsel vm8, v28, v26;
	v40 =	vsel vm9, v14, v33;
	v41 =	vsel vm9, v13, v34  }
0xf2: {  	vm6 =	veq.f32 v26, v40;
	vm8 =	vlt.s32 v27, v41  }
0xf3: {  	vm12 =	vgt.f32 v26, v40;
	vm6 =	vmand vm6, vm8  }
0xf4: {  	vm8 =	vmor vm12, vm6  }
0xf5: {  	v11 =	vsel vm3, v12, v11;
	v42 =	vsel vm8, v26, v40;
	v35 =	vsel vm8, v27, v41  }
0xf6: {  	vm3 =	veq.f32 v11, v42;
	vm6 =	vlt.s32 v10, v35  }
0xf7: {  	vm12 =	vgt.f32 v11, v42;
	vm3 =	vmand vm3, vm6  }
0xf8: {  	vm6 =	vmor vm12, vm3  }
0xf9: {  	v36 =	vsel vm6, v11, v42;
	v37 =	vsel vm6, v10, v35  }
0xfa: {  	vm3 =	veq.f32 v16, v36;
	vm12 =	vlt.s32 v18, v37  }
0xfb: {  	vm3 =	vmand vm3, vm12;
	vm12 =	vgt.f32 v16, v36  }
0xfc: {  	vm3 =	vmor vm12, vm3  }
0xfd: {  	v38 =	vsel vm3, v16, v36  }
0xfe: {  	vm4 =	vmand vm4, vm7;
	v43 =	vperm.xlane v38, v1  }
0xff: {  	vm4 =	vmor vm5, vm4  }
0x100: {  	v19 =	vsel vm4, v22, v19;
	v15 =	vsel vm4, v23, v15;
	v22 =	vmax.f32 v38, v43  }
0x101: {  	v44 =	vsel vm11, v25, v21;
	v17 =	vsel vm11, v17, v24;
	v45 =	vperm.xlane v22, v2  }
0x102: {  	vm13 =	veq.f32 v44, v19;
	vm14 =	vlt.s32 v17, v15  }
0x103: {  	vm4 =	vmand vm13, vm14;
	vm15 =	vgt.f32 v44, v19;
	v46 =	vmax.f32 v22, v45  }
0x104: {  	v20 =	vsel vm10, v62, v61;
	vm4 =	vmor vm15, vm4;
	v22 =	vperm.xlane v46, v3  }
0x105: {  	v47 =	vsel vm10, v63, v29;
	v19 =	vsel vm4, v44, v19;
	v15 =	vsel vm4, v17, v15  }
0x106: {  	vm10 =	veq.f32 v20, v19;
	vm11 =	vlt.s32 v47, v15;
	v17 =	vmax.f32 v46, v22  }
0x107: {  	vm4 =	vmand vm10, vm11;
	vm12 =	vgt.f32 v20, v19;
	v22 =	vperm.xlane v17, v4  }
0x108: {  	vm4 =	vmor vm12, vm4;
	v48 =	vsel vm3, v18, v37  }
0x109: {  	v19 =	vsel vm4, v20, v19;
	v20 =	vshll.u32 v48, $0x4;
	v17 =	vmax.f32 v17, v22  }
0x10a: {  	v15 =	vsel vm4, v47, v15;
	v20 =	vor.u32 v0, v20;
	vm4 =	veq.f32 v38, v17  }
0x10b: {  	v51 =	vnsel vm4, $0x40000000, v20  }
0x10c: {  	v52 =	vperm.xlane v51, v1  }
0x10d: {  	v49 =	vsel vm9, v33, v14;
	v50 =	vsel vm9, v34, v13  }
0x10e: {  	vm13 =	veq.f32 v49, v19;
	vm14 =	vlt.s32 v50, v15;
	vm12 =	vlt.s32 v51, v52  }
0x10f: {  	vm15 =	vgt.f32 v49, v19;
	vm5 =	vmand vm13, vm14;
	v21 =	vsel vm12, v51, v52  }
0x110: {  	v53 =	vsel vm8, v40, v26;
	vm5 =	vmor vm15, vm5;
	v22 =	vperm.xlane v21, v2  }
0x111: {  	v54 =	vsel vm8, v41, v27;
	v14 =	vsel vm5, v49, v19;
	v13 =	vsel vm5, v50, v15  }
0x112: {  	vm13 =	veq.f32 v53, v14;
	vm14 =	vlt.s32 v54, v13;
	vm9 =	vlt.s32 v21, v22  }
0x113: {  	vm15 =	vgt.f32 v53, v14;
	vm5 =	vmand vm13, vm14;
	v55 =	vsel vm9, v21, v22  }
0x114: {  	v11 =	vsel vm6, v42, v11;
	vm5 =	vmor vm15, vm5;
	v57 =	vperm.xlane v55, v3  }
0x115: {  	v56 =	vsel vm6, v35, v10;
	v14 =	vsel vm5, v53, v14;
	v13 =	vsel vm5, v54, v13  }
0x116: {  	vm10 =	veq.f32 v11, v14;
	vm6 =	vlt.s32 v56, v13;
	vm12 =	vlt.s32 v55, v57  }
0x117: {  	vm11 =	vgt.f32 v11, v14;
	vm5 =	vmand vm10, vm6;
	v12 =	vsel vm12, v55, v57  }
0x118: {  	v59 =	vsel vm3, v36, v16;
	vm5 =	vmor vm11, vm5;
	v58 =	vperm.xlane v12, v4  }
0x119: {  	v60 =	vsel vm3, v37, v18;
	v11 =	vsel vm5, v11, v14;
	v10 =	vsel vm5, v56, v13  }
0x11a: {  	vm3 =	veq.f32 v59, v11;
	vm5 =	vlt.s32 v60, v10;
	vm6 =	vlt.s32 v12, v58  }
0x11b: {  	vm13 =	vgt.f32 v59, v11;
	vm3 =	vmand vm3, vm5;
	v12 =	vsel vm6, v12, v58  }
0x11c: {  	vm3 =	vmor vm13, vm3;
	vm14 =	veq.s32 v20, v12  }
0x11d: {  	v11 =	vsel vm3, v59, v11;
	vm4 =	vmand vm4, vm14  }
0x11e: {  	v11 =	vsel vm4, v11, v38  }
0x11f: {  	v61 =	vperm.xlane v11, v1;
	_ =	sdelay $0x1  }
0x120: {  	v13 =	vmax.f32 v11, v61  }
0x121: {  	v62 =	vperm.xlane v13, v2;
	_ =	sdelay $0x1  }
0x122: {  	v13 =	vmax.f32 v13, v62  }
0x123: {  	v14 =	vperm.xlane v13, v3;
	_ =	sdelay $0x1  }
0x124: {  	v13 =	vmax.f32 v13, v14  }
0x125: {  	v10 =	vsel vm3, v60, v10;
	v14 =	vperm.xlane v13, v4  }
0x126: {  	v10 =	vshll.u32 v10, $0x4  }
0x127: {  	v10 =	vor.u32 v0, v10;
	v13 =	vmax.f32 v13, v14  }
0x128: {  	v10 =	vsel vm4, v10, v20;
	vm3 =	veq.f32 v11, v13  }
0x129: {  	v10 =	vnsel vm3, $0x40000000, v10  }
0x12a: {  	v63 =	vperm.xlane v10, v1;
	_ =	sdelay $0x1  }
0x12b: {  	vm3 =	vlt.s32 v10, v63  }
0x12c: {  	v10 =	vsel vm3, v10, v63  }
0x12d: {  	v11 =	vperm.xlane v10, v2;
	_ =	sdelay $0x1  }
0x12e: {  	vm3 =	vlt.s32 v10, v11  }
0x12f: {  	v10 =	vsel vm3, v10, v11  }
0x130: {  	v11 =	vperm.xlane v10, v3;
	_ =	sdelay $0x1  }
0x131: {  	vm3 =	vlt.s32 v10, v11  }
0x132: {  	vm15 =	vmmov $0x1;
	v10 =	vsel vm3, v10, v11  }
0x133: {  	v5 =	vnsel vm15, $0x0, v5;
	vm3 =	vlt.s32 v8, v9;
	v11 =	vperm.xlane v10, v4  }
0x134: {  	v6 =	vnsel vm15, $0x0, v6;
	v5 =	vsel vm0, v5, v7;
	v8 =	vsel vm3, v8, v9  }
0x135: {  	v5 =	vsel vm1, v5, v17;
	v6 =	vsel vm0, v6, v8;
	vm3 =	vlt.s32 v10, v11  }
0x136: {  	v5 =	vsel vm2, v5, v13;
	v6 =	vsel vm1, v6, v12;
	v7 =	vsel vm3, v10, v11  }
0x137: {  	[tilespmem:$0x10000] =	vst v5;
	v6 =	vsel vm2, v6, v7  }
0x138: {  	[tilespmem:$0x10080] =	vst v6  }
0x139: {  	[hbm4b:s5+s2] =	stream.linear.scatter [tilespmem:s13], [sflag:$0x3], $0x8, $0x38;
	[tilespmem:$0x10100] =	vst v63  }
0x13a: {  	s16 =	sadd.s32 $0x1, s16;
	_ =	swait.ge [sflag:s14], $0x8  }
0x13b: {  	p0 =	sne.s32 s16, s7;
	[sflag:s14] =	ssyncset.done $0x0  }
.Ltmp2:
0x13c: {  	[sflag:s14] =	ssyncadd.s32 $0xFFFFFFF8;
	(pc) =	sbr.rel @p0 .LBB2_1-.Ltmp2, $4  }
0x13d: {  	[hbm4b:s6+s2] =	stream.linear.scatter [tilespmem:s15], [sflag:$0x3], $0x8, $0x38;
	[tilespmem:$0x10100] =	vst v63  }
0x13e: {  	_ =	swait.ge [sflag:s14], $0x8  }
0x13f: {  	[sflag:s14] =	ssyncset.done $0x0  }
0x140: {  	[sflag:s14] =	ssyncadd.s32 $0xFFFFFFF8  }
0x141: {  	_ =	sfence.sel $0x180000  }
0x142: {  	[bflag:$0x0] =	sbarrier.arrive $0xFFFF  }
0x143: {  	p0 =	sne.s32 s1, $0x0;
	_ =	strace $0x90000047  }
0x144: {  	s0 =	sadd.s32 @!p0 $0x100000, s0;
	[bflag:$0x2] =	sbarrier.arrive $0xFFFF  }
0x145: {  	[sflag:s0] =	ssyncadd.tile.s32 @!p0 $0x1;
	_ =	shalt  }
.Lfunc_end2:
_tile_overlayer_lowered:
.L_overlay_start_2:
0x146: {  	(tag) =	ssettag $0x2  }
0x147: {  	s0 =	rddreg [dreg:$0x0];
	s2 =	stileid.u32  }
0x148: {  	s1 =	rddreg [dreg:$0x1];
	p0 =	sne.s32 s2, $0x0  }
0x149: {  	s3 =	rddreg [dreg:$0x2];
	[bflag:$0x3] =	sbarrier.arrive $0xFFFF;
	s2 =	simm.s32 @!p0 $0x1C03  }
0x14a: {  	[timem:s3], [sflag:s2] =	dma.local @!p0 [hbm:s0], s1  }
0x14b: {  	s0 =	simm.s32 @!p0 $0x3  }
0x14c: {  	_ =	swait.ge @!p0 [sflag:s0], s1  }
0x14d: {  	s1 =	ssub.s32 @!p0 $0x0, s1;
	[sflag:s0] =	ssyncset.done @!p0 $0x0  }
0x14e: {  	[sflag:s0] =	ssyncadd.s32 @!p0 s1  }
0x14f: {  	[bflag:$0x3] =	sbarrier.arrive $0xFFFF  }
0x150: {  	_ =	shalt  }

</sc_bundles>
